<compile_context>
chip_gen: v7x
topology: tpu7x:2x2x1
jax: 0.10.2.dev20260603
libtpu: 0.0.44.dev20260713+nightly
codegen_flags: <defaults>
</compile_context>

<pallas_src>
import functools

import jax
import jax.numpy as jnp
from jax import lax
from jax.experimental import pallas as pl
from jax.experimental.pallas import tpu as pltpu
from jax.experimental.pallas import tpu_sc as plsc

_NPOINT = 512
_NSAMPLE = 32
_EPS = 1e-5


def _fps_body(x_ref, cents_ref, dd_ref):
    B = x_ref.shape[0]
    R, L = x_ref.shape[2], x_ref.shape[3]
    X = x_ref[:, 0]
    Y = x_ref[:, 1]
    Z = x_ref[:, 2]
    dd_ref[...] = (X * X + Y * Y) + Z * Z
    li = (lax.broadcasted_iota(jnp.int32, (B, R, L), 1) * L
          + lax.broadcasted_iota(jnp.int32, (B, R, L), 2))
    sel_i = lax.broadcasted_iota(jnp.int32, (1, 1, _NPOINT), 2)

    def body(i, carry):
        dist, f = carry
        Xv = x_ref[:, 0]
        Yv = x_ref[:, 1]
        Zv = x_ref[:, 2]
        mask = li == f
        cx = jnp.sum(jnp.sum(jnp.where(mask, Xv, 0.0), axis=2, keepdims=True),
                     axis=1, keepdims=True)
        cy = jnp.sum(jnp.sum(jnp.where(mask, Yv, 0.0), axis=2, keepdims=True),
                     axis=1, keepdims=True)
        cz = jnp.sum(jnp.sum(jnp.where(mask, Zv, 0.0), axis=2, keepdims=True),
                     axis=1, keepdims=True)
        ssc = (cx * cx + cy * cy) + cz * cz
        c4 = jnp.concatenate([cx, cy, cz, ssc], axis=1)
        cents_ref[...] = jnp.where(sel_i == i, c4, cents_ref[...])
        dx = Xv - cx
        dy = Yv - cy
        dz = Zv - cz
        d = (dx * dx + dy * dy) + dz * dz
        dist = jnp.minimum(dist, d)
        m = jnp.max(jnp.max(dist, axis=2, keepdims=True), axis=1, keepdims=True)
        f2 = jnp.min(jnp.min(jnp.where(dist == m, li, 2**30), axis=2,
                             keepdims=True), axis=1, keepdims=True)
        return dist, f2

    init = (jnp.full((B, R, L), 1e10, jnp.float32),
            jnp.zeros((B, 1, 1), jnp.int32))
    lax.fori_loop(0, _NPOINT, body, init)


def _run_fps(xyz):
    B, _, N = xyz.shape
    xr = xyz.reshape(B, 3, N // 128, 128)
    return pl.pallas_call(
        _fps_body,
        out_shape=[
            jax.ShapeDtypeStruct((B, 4, _NPOINT), jnp.float32),
            jax.ShapeDtypeStruct((B, N // 128, 128), jnp.float32),
        ],
    )(xr)


def _make_sc_gather(B, N, n_rows):
    nw = 32
    cpw = (B * _NPOINT) // nw
    mesh = plsc.VectorSubcoreMesh(core_axis_name="c", subcore_axis_name="s",
                                  num_cores=2, num_subcores=16)

    @functools.partial(
        pl.kernel,
        out_type=jax.ShapeDtypeStruct((n_rows, 32), jnp.float32),
        mesh=mesh,
        compiler_params=pltpu.CompilerParams(needs_layout_passes=False),
        scratch_types=[
            pltpu.VMEM((cpw, 16), jnp.float32),
            pltpu.VMEM((_NSAMPLE,), jnp.int32),
            pltpu.VMEM((_NSAMPLE, 128), jnp.float32),
            pltpu.VMEM((_NSAMPLE, 32), jnp.float32),
            pltpu.SemaphoreType.DMA,
        ],
    )
    def sc_gather(idx_hbm, cent_hbm, feat_hbm, out_hbm,
                  cent_v, idx_v, rows_v, rowso_v, sem):
        wid = lax.axis_index("s") * 2 + lax.axis_index("c")
        c0 = wid * cpw
        pltpu.sync_copy(cent_hbm.at[pl.ds(c0, cpw)], cent_v)
        lane = lax.broadcasted_iota(jnp.int32, (16,), 0)

        def per_center(j, carry):
            cidx = c0 + j
            pltpu.sync_copy(idx_hbm.at[cidx], idx_v)
            pltpu.async_copy(feat_hbm.at[idx_v], rows_v, sem).wait()
            crow = cent_v[j]
            sv = jnp.where(lane == 0, crow[0],
                           jnp.where(lane == 1, crow[1],
                                     jnp.where(lane == 2, crow[2], 0.0)))
            for r in range(_NSAMPLE):
                rowso_v[r, pl.ds(0, 16)] = rows_v[r, pl.ds(0, 16)] - sv
                rowso_v[r, pl.ds(16, 16)] = rows_v[r, pl.ds(16, 16)]
            pltpu.sync_copy(rowso_v, out_hbm.at[pl.ds(cidx * _NSAMPLE,
                                                      _NSAMPLE)])
            return carry

        lax.fori_loop(0, cpw, per_center, jnp.int32(0))

    return sc_gather


def _lin_body(x_ref, w_ref, p_ref, z_ref, st_ref, *, nc):
    x = x_ref[...]
    w = w_ref[...].astype(jnp.bfloat16)
    z = jnp.dot(x.astype(jnp.bfloat16), w,
                preferred_element_type=jnp.float32) + p_ref[0:1, :nc]
    z_ref[...] = z

    @pl.when(pl.program_id(0) == 0)
    def _():
        st_ref[...] = jnp.zeros_like(st_ref)

    st_ref[0:1, :nc] += jnp.sum(z, axis=0)[None, :]
    st_ref[1:2, :nc] += jnp.sum(z * z, axis=0)[None, :]


def _act_lin_body(x_ref, w_ref, p_ref, z_ref, st_ref, *, nc, nc_in):
    x = jnp.maximum(x_ref[...] * p_ref[1:2, :nc_in] + p_ref[2:3, :nc_in], 0.0)
    w = w_ref[...].astype(jnp.bfloat16)
    z = jnp.dot(x.astype(jnp.bfloat16), w,
                preferred_element_type=jnp.float32) + p_ref[0:1, :nc]
    z_ref[...] = z

    @pl.when(pl.program_id(0) == 0)
    def _():
        st_ref[...] = jnp.zeros_like(st_ref)

    st_ref[0:1, :nc] += jnp.sum(z, axis=0)[None, :]
    st_ref[1:2, :nc] += jnp.sum(z * z, axis=0)[None, :]


def _act_pool_body(x_ref, p_ref, o_ref, *, nc):
    y = jnp.maximum(x_ref[...] * p_ref[1:2, :nc] + p_ref[2:3, :nc], 0.0)
    g = y.shape[0] // _NSAMPLE
    o_ref[...] = jnp.max(y.reshape(g, _NSAMPLE, nc), axis=1)


def _run_lin(body, x, w, p, nc, blk, grid):
    m = x.shape[0]
    return pl.pallas_call(
        body,
        grid=(grid,),
        in_specs=[
            pl.BlockSpec((blk, x.shape[1]), lambda i: (i, 0)),
            pl.BlockSpec(w.shape, lambda i: (0, 0)),
            pl.BlockSpec(p.shape, lambda i: (0, 0)),
        ],
        out_specs=[
            pl.BlockSpec((blk, nc), lambda i: (i, 0)),
            pl.BlockSpec((8, 128), lambda i: (0, 0)),
        ],
        out_shape=[
            jax.ShapeDtypeStruct((m, nc), jnp.float32),
            jax.ShapeDtypeStruct((8, 128), jnp.float32),
        ],
    )(x, w, p)


def _bn_params(st, n, g, be, b_next, nc):
    s = st[0, :nc]
    q = st[1, :nc]
    mean = s / n
    var = q / n - mean * mean
    a = g / jnp.sqrt(var + _EPS)
    c = be - mean * a
    p = jnp.zeros((8, 128), jnp.float32)
    if b_next is not None:
        p = p.at[0, : b_next.shape[0]].set(b_next)
    p = p.at[1, :nc].set(a)
    p = p.at[2, :nc].set(c)
    return p


def kernel(xyz, points, W0, b0, g0, be0, W1, b1, g1, be1, W2, b2, g2, be2):
    B, _, N = xyz.shape
    D = points.shape[1]
    n_rows = B * _NPOINT * _NSAMPLE

    cents, dd = _run_fps(xyz)
    new_xyz = cents[:, :3, :]
    ss = cents[:, 3, :]
    dd = dd.reshape(B, N)

    xyz_t = xyz.transpose(0, 2, 1)
    new_t = new_xyz.transpose(0, 2, 1)
    sqrdists = -2.0 * jnp.matmul(new_t, xyz)
    sqrdists = sqrdists + jnp.sum(new_t ** 2, -1)[:, :, None]
    sqrdists = sqrdists + jnp.sum(xyz_t ** 2, -1)[:, None, :]
    key = jnp.broadcast_to(-jnp.arange(N, dtype=jnp.int32), sqrdists.shape)
    key = jnp.where(sqrdists > 0.2 ** 2, jnp.int32(-N), key)
    gi = -lax.top_k(key, _NSAMPLE)[0]
    gf = jnp.broadcast_to(gi[:, :, 0:1], gi.shape)
    gi = jnp.where(gi == N, gf, gi)
    gidx = (gi + (jnp.arange(B, dtype=jnp.int32) * N)[:, None, None]
            ).reshape(B * _NPOINT, _NSAMPLE)

    cent = jnp.concatenate(
        [new_xyz, jnp.zeros((B, 13, _NPOINT), jnp.float32)],
        axis=1).transpose(0, 2, 1).reshape(B * _NPOINT, 16)
    feat = jnp.concatenate(
        [xyz_t, points.transpose(0, 2, 1),
         jnp.zeros((B, N, 128 - 3 - D), jnp.float32)], axis=-1
    ).reshape(B * N, 128)

    sc = _make_sc_gather(B, N, n_rows)
    xg = sc(gidx, cent, feat)

    w0p = jnp.zeros((32, 32), jnp.float32).at[: 3 + D, :].set(W0.T)
    w1p = W1.T
    w2p = W2.T
    nf = float(n_rows)

    p1 = jnp.zeros((8, 128), jnp.float32).at[0, :32].set(b0)
    z1, st1 = _run_lin(functools.partial(_lin_body, nc=32), xg, w0p, p1,
                       32, 4096, n_rows // 4096)
    p2 = _bn_params(st1, nf, g0, be0, b1, 32)
    z2, st2 = _run_lin(functools.partial(_act_lin_body, nc=32, nc_in=32),
                       z1, w1p, p2, 32, 4096, n_rows // 4096)
    p3 = _bn_params(st2, nf, g1, be1, b2, 32)
    z3, st3 = _run_lin(functools.partial(_act_lin_body, nc=64, nc_in=32),
                       z2, w2p, p3, 64, 4096, n_rows // 4096)
    p4 = _bn_params(st3, nf, g2, be2, None, 64)

    blk = 4096
    pooled = pl.pallas_call(
        functools.partial(_act_pool_body, nc=64),
        grid=(n_rows // blk,),
        in_specs=[
            pl.BlockSpec((blk, 64), lambda i: (i, 0)),
            pl.BlockSpec((8, 128), lambda i: (0, 0)),
        ],
        out_specs=pl.BlockSpec((blk // _NSAMPLE, 64), lambda i: (i, 0)),
        out_shape=jax.ShapeDtypeStruct((B * _NPOINT, 64), jnp.float32),
    )(z3, p4)

    new_points = pooled.reshape(B, _NPOINT, 64).transpose(0, 2, 1)
    return (new_xyz, new_points)

# --- scband reference (transcript-rebuilt; emitter-appended) ---
"""Pipeline reference for scband-point-net-set-abstraction-68281390072553 (READ-ONLY COPY).

The authoritative reference and input builder live on the scoring server;
editing this copy changes nothing except your own understanding.
"""

import jax, jax.numpy as jnp
import numpy as np

NPOINT = 512
RADIUS = 0.2
NSAMPLE = 32
MLP = [32, 32, 64]
IN_CH = 19
EPS = 1e-5


def setup_inputs(seed: int = 0) -> dict:
    key = jax.random.key(seed)
    ks = jax.random.split(key, 2 + 3 * len(MLP))
    inp = {}
    inp["xyz"] = jax.random.uniform(ks[0], (4, 3, 8192), dtype=jnp.float32)
    inp["points"] = jax.random.normal(ks[1], (4, 16, 8192), dtype=jnp.float32)
    last = IN_CH
    for i, oc in enumerate(MLP):
        inp[f"W{i}"] = jax.random.normal(ks[2 + 3 * i], (oc, last), dtype=jnp.float32) * (1.0 / np.sqrt(last))
        inp[f"b{i}"] = jnp.zeros((oc,), dtype=jnp.float32)
        inp[f"g{i}"] = jnp.ones((oc,), dtype=jnp.float32)
        inp[f"be{i}"] = jnp.zeros((oc,), dtype=jnp.float32)
        last = oc
    return inp


def index_points(points, idx):
    # points: [B, N, C], idx: [B, ...] -> [B, ..., C]
    return jax.vmap(lambda p, i: p[i])(points, idx)


def square_distance(src, dst):
    dist = -2.0 * jnp.matmul(src, dst.transpose(0, 2, 1))
    dist = dist + jnp.sum(src ** 2, -1)[:, :, None]
    dist = dist + jnp.sum(dst ** 2, -1)[:, None, :]
    return dist


def farthest_point_sample(xyz, npoint):
    # deterministic variant: start from point 0 in each batch (torch uses randint)
    B, N, C = xyz.shape
    bidx = jnp.arange(B)

    def body(i, state):
        centroids, distance, farthest = state
        centroids = centroids.at[:, i].set(farthest)
        centroid = xyz[bidx, farthest, :][:, None, :]  # [B,1,3]
        dist = jnp.sum((xyz - centroid) ** 2, -1)
        distance = jnp.minimum(distance, dist)
        farthest = jnp.argmax(distance, -1).astype(jnp.int32)
        return (centroids, distance, farthest)

    init = (jnp.zeros((B, npoint), jnp.int32),
            jnp.full((B, N), 1e10, jnp.float32),
            jnp.zeros((B,), jnp.int32))
    centroids, _, _ = jax.lax.fori_loop(0, npoint, body, init)
    return centroids


def query_ball_point(radius, nsample, xyz, new_xyz):
    B, N, C = xyz.shape
    S = new_xyz.shape[1]
    sqrdists = square_distance(new_xyz, xyz)  # [B,S,N]
    group_idx = jnp.broadcast_to(jnp.arange(N, dtype=jnp.int32), (B, S, N))
    group_idx = jnp.where(sqrdists > radius ** 2, jnp.int32(N), group_idx)
    group_idx = jnp.sort(group_idx, axis=-1)[:, :, :nsample]
    group_first = jnp.broadcast_to(group_idx[:, :, 0:1], (B, S, nsample))
    mask = group_idx == N
    group_idx = jnp.where(mask, group_first, group_idx)
    return group_idx


def reference(xyz, points, W0, b0, g0, be0, W1, b1, g1, be1, W2, b2, g2, be2):
    xyz_t = xyz.transpose(0, 2, 1)      # [B,N,3]
    pts_t = points.transpose(0, 2, 1)   # [B,N,D]
    B, N, C = xyz_t.shape
    xyz_sg = jax.lax.stop_gradient(xyz_t)
    fps_idx = farthest_point_sample(xyz_sg, NPOINT)          # [B,S]
    new_xyz = index_points(xyz_t, fps_idx)                    # [B,S,3]
    idx = query_ball_point(RADIUS, NSAMPLE, xyz_sg, jax.lax.stop_gradient(new_xyz))  # [B,S,ns]
    grouped_xyz = index_points(xyz_t, idx)                    # [B,S,ns,3]
    grouped_xyz_norm = grouped_xyz - new_xyz[:, :, None, :]
    grouped_points = index_points(pts_t, idx)                 # [B,S,ns,D]
    new_points = jnp.concatenate([grouped_xyz_norm, grouped_points], axis=-1)
    x = new_points.transpose(0, 3, 2, 1)                      # [B,C+D,ns,S]
    for (W, b, g, be) in ((W0, b0, g0, be0), (W1, b1, g1, be1), (W2, b2, g2, be2)):
        x = jnp.einsum('oc,bcns->bons', W, x) + b[None, :, None, None]
        mean = jnp.mean(x, axis=(0, 2, 3), keepdims=True)
        var = jnp.var(x, axis=(0, 2, 3), keepdims=True)
        x = g[None, :, None, None] * (x - mean) / jnp.sqrt(var + EPS) + be[None, :, None, None]
        x = jax.nn.relu(x)
    new_points_out = jnp.max(x, axis=2)        # [B, 64, S]
    new_xyz_out = new_xyz.transpose(0, 2, 1)   # [B, 3, S]
    return (new_xyz_out, new_points_out)

if __name__ == "__main__":
    import jax
    _d = setup_inputs()
    print(jax.jit(kernel)(*tuple(_d.values())))

</pallas_src>

<mosaic_0001>
#map = affine_map<(d0, d1) -> (0, 0)>
module attributes {stable_mosaic.version = 14 : i64} {
  func.func @sc_gather(%arg0: i32, %arg1: i32, %arg2: memref<2048x32xi32, #tpu.memory_space<hbm>>, %arg3: memref<2048x16xf32, #tpu.memory_space<hbm>>, %arg4: memref<32768x128xf32, #tpu.memory_space<hbm>>, %arg5: memref<65536x32xf32, #tpu.memory_space<hbm>>, %arg6: memref<64x16xf32, #tpu.memory_space<vmem>>, %arg7: memref<32xi32, #tpu.memory_space<vmem>>, %arg8: memref<32x128xf32, #tpu.memory_space<vmem>>, %arg9: memref<32x32xf32, #tpu.memory_space<vmem>>, %arg10: memref<!tpu.dma_semaphore, #tpu.memory_space<semaphore_mem>>) attributes {dimension_semantics = [#tpu.dimension_semantics<core_parallel>, #tpu.dimension_semantics<subcore_parallel>], iteration_bounds = array<i64: 2, 16>, scalar_prefetch = 0 : i64, scratch_operands = 5 : i64, tpu.core_type = #tpu.core_type<sc_vector_subcore>, window_params = [{transform_indices = #map}, {transform_indices = #map}, {transform_indices = #map}, {transform_indices = #map}]} {
    %mul3A = arith.constant 2 : i32
    %mul3A_0 = arith.muli %arg1, %mul3A : i32
    %add3A = arith.addi %mul3A_0, %arg0 : i32
    %mul3A_1 = arith.constant 64 : i32
    %mul3A_2 = arith.muli %add3A, %mul3A_1 : i32
    "tpu.region"() ({
      %run_scoped3A = tpu.sem_alloc : memref<!tpu.dma_semaphore, #tpu.memory_space<semaphore_mem>>
      %dma_start3A = arith.constant 0 : i32
      %dma_start3A_8 = tpu.memref_slice %arg3[%mul3A_2, %dma_start3A] : memref<2048x16xf32, #tpu.memory_space<hbm>> -> memref<64x16xf32, #tpu.memory_space<hbm>>
      %dma_start3A_9 = arith.constant 0 : i32
      %dma_start3A_10 = tpu.memref_slice %arg3[%mul3A_2, %dma_start3A_9] : memref<2048x16xf32, #tpu.memory_space<hbm>> -> memref<64x16xf32, #tpu.memory_space<hbm>>
      tpu.enqueue_dma source(%dma_start3A_10 : memref<64x16xf32, #tpu.memory_space<hbm>>) target(%arg6 : memref<64x16xf32, #tpu.memory_space<vmem>>) target_semaphore(%run_scoped3A : memref<!tpu.dma_semaphore, #tpu.memory_space<semaphore_mem>>)
      %dma_wait3A = arith.constant 0 : i32
      %dma_wait3A_11 = tpu.memref_slice %arg3[%mul3A_2, %dma_wait3A] : memref<2048x16xf32, #tpu.memory_space<hbm>> -> memref<64x16xf32, #tpu.memory_space<hbm>>
      %dma_wait3A_12 = arith.constant 0 : i32
      %dma_wait3A_13 = tpu.memref_slice %arg3[%mul3A_2, %dma_wait3A_12] : memref<2048x16xf32, #tpu.memory_space<hbm>> -> memref<64x16xf32, #tpu.memory_space<hbm>>
      tpu.wait_dma2 semaphore(%run_scoped3A : memref<!tpu.dma_semaphore, #tpu.memory_space<semaphore_mem>>) src(%dma_wait3A_13 : memref<64x16xf32, #tpu.memory_space<hbm>>) dst(%arg6 : memref<64x16xf32, #tpu.memory_space<vmem>>)
      tpu.yield
    }) : () -> ()
    %iota3A = tpu.iota {dimensions = array<i32: 0>} : vector<16xi32>
    %scan3A = arith.constant 0 : i32
    %scan3A_3 = arith.constant 0 : i32
    %scan3A_4 = arith.constant 64 : i32
    %scan3A_5 = arith.addi %scan3A_3, %scan3A_4 : i32
    %scan3A_6 = arith.constant 1 : i32
    scf.for %scan3A_8 = %scan3A_3 to %scan3A_5 step %scan3A_6  : i32 {
      %add3A_9 = arith.addi %mul3A_2, %scan3A_8 : i32
      "tpu.region"() ({
        %run_scoped3A = tpu.sem_alloc : memref<!tpu.dma_semaphore, #tpu.memory_space<semaphore_mem>>
        %dma_start3A_577 = arith.constant 0 : i32
        %dma_start3A_578 = tpu.memref_slice %arg2[%add3A_9, %dma_start3A_577] : memref<2048x32xi32, #tpu.memory_space<hbm>> -> memref<1x32xi32, #tpu.memory_space<hbm>>
        %dma_start3A_579 = tpu.memref_squeeze %dma_start3A_578 : memref<1x32xi32, #tpu.memory_space<hbm>> -> memref<32xi32, #tpu.memory_space<hbm>>
        %dma_start3A_580 = arith.constant 0 : i32
        %dma_start3A_581 = tpu.memref_slice %arg2[%add3A_9, %dma_start3A_580] : memref<2048x32xi32, #tpu.memory_space<hbm>> -> memref<1x32xi32, #tpu.memory_space<hbm>>
        %dma_start3A_582 = tpu.memref_squeeze %dma_start3A_581 : memref<1x32xi32, #tpu.memory_space<hbm>> -> memref<32xi32, #tpu.memory_space<hbm>>
        tpu.enqueue_dma source(%dma_start3A_582 : memref<32xi32, #tpu.memory_space<hbm>>) target(%arg7 : memref<32xi32, #tpu.memory_space<vmem>>) target_semaphore(%run_scoped3A : memref<!tpu.dma_semaphore, #tpu.memory_space<semaphore_mem>>)
        %dma_wait3A_583 = arith.constant 0 : i32
        %dma_wait3A_584 = tpu.memref_slice %arg2[%add3A_9, %dma_wait3A_583] : memref<2048x32xi32, #tpu.memory_space<hbm>> -> memref<1x32xi32, #tpu.memory_space<hbm>>
        %dma_wait3A_585 = tpu.memref_squeeze %dma_wait3A_584 : memref<1x32xi32, #tpu.memory_space<hbm>> -> memref<32xi32, #tpu.memory_space<hbm>>
        %dma_wait3A_586 = arith.constant 0 : i32
        %dma_wait3A_587 = tpu.memref_slice %arg2[%add3A_9, %dma_wait3A_586] : memref<2048x32xi32, #tpu.memory_space<hbm>> -> memref<1x32xi32, #tpu.memory_space<hbm>>
        %dma_wait3A_588 = tpu.memref_squeeze %dma_wait3A_587 : memref<1x32xi32, #tpu.memory_space<hbm>> -> memref<32xi32, #tpu.memory_space<hbm>>
        tpu.wait_dma2 semaphore(%run_scoped3A : memref<!tpu.dma_semaphore, #tpu.memory_space<semaphore_mem>>) src(%dma_wait3A_588 : memref<32xi32, #tpu.memory_space<hbm>>) dst(%arg7 : memref<32xi32, #tpu.memory_space<vmem>>)
        tpu.yield
      }) : () -> ()
      %dma_start3A = arith.constant 0 : i32
      %dma_start3A_10 = arith.constant 0 : i32
      %dma_start3A_11 = tpu.memref_slice %arg4[%dma_start3A, %dma_start3A_10] : memref<32768x128xf32, #tpu.memory_space<hbm>> -> memref<32768x128xf32, #tpu.memory_space<hbm>>
      tpu.enqueue_indirect_dma source(%dma_start3A_11 : memref<32768x128xf32, #tpu.memory_space<hbm>>) target(%arg8 : memref<32x128xf32, #tpu.memory_space<vmem>>) offsets(%arg7 : memref<32xi32, #tpu.memory_space<vmem>>) semaphore(%arg10 : memref<!tpu.dma_semaphore, #tpu.memory_space<semaphore_mem>>)
      %dma_wait3A = arith.constant 0 : i32
      %dma_wait3A_12 = arith.constant 0 : i32
      %dma_wait3A_13 = tpu.memref_slice %arg4[%dma_wait3A, %dma_wait3A_12] : memref<32768x128xf32, #tpu.memory_space<hbm>> -> memref<32768x128xf32, #tpu.memory_space<hbm>>
      tpu.wait_indirect_dma semaphore(%arg10 : memref<!tpu.dma_semaphore, #tpu.memory_space<semaphore_mem>>) src(%dma_wait3A_13 : memref<32768x128xf32, #tpu.memory_space<hbm>>) dst(%arg8 : memref<32x128xf32, #tpu.memory_space<vmem>>)
      %get3A = arith.index_cast %scan3A_8 : i32 to index
      %get3A_14 = arith.constant 0 : index
      %get3A_15 = tpu.vector_load %arg6[%get3A, %get3A_14] {strides = array<i32>} : memref<64x16xf32, #tpu.memory_space<vmem>>, vector<16xf32>,
      %eq3A = arith.constant 0 : i32
      %eq3A_16 = vector.broadcast %eq3A : i32 to vector<16xi32>
      %eq3A_17 = arith.cmpi eq, %iota3A, %eq3A_16 : vector<16xi32>
      %slice3A = vector.extract_strided_slice %get3A_15 {offsets = [0], sizes = [1], strides = [1]} : vector<16xf32> to vector<1xf32>
      %squeeze3A = vector.extract %slice3A[0] : f32 from vector<1xf32>
      %eq3A_18 = arith.constant 1 : i32
      %eq3A_19 = vector.broadcast %eq3A_18 : i32 to vector<16xi32>
      %eq3A_20 = arith.cmpi eq, %iota3A, %eq3A_19 : vector<16xi32>
      %slice3A_21 = vector.extract_strided_slice %get3A_15 {offsets = [1], sizes = [1], strides = [1]} : vector<16xf32> to vector<1xf32>
      %squeeze3A_22 = vector.extract %slice3A_21[0] : f32 from vector<1xf32>
      %eq3A_23 = arith.constant 2 : i32
      %eq3A_24 = vector.broadcast %eq3A_23 : i32 to vector<16xi32>
      %eq3A_25 = arith.cmpi eq, %iota3A, %eq3A_24 : vector<16xi32>
      %slice3A_26 = vector.extract_strided_slice %get3A_15 {offsets = [2], sizes = [1], strides = [1]} : vector<16xf32> to vector<1xf32>
      %squeeze3A_27 = vector.extract %slice3A_26[0] : f32 from vector<1xf32>
      %jit3A = arith.constant 0.000000e+00 : f32
      %broadcast_in_dim3A = vector.broadcast %squeeze3A_27 : f32 to vector<16xf32>
      %broadcast_in_dim3A_28 = vector.broadcast %jit3A : f32 to vector<16xf32>
      %select_n3A = arith.select %eq3A_25, %broadcast_in_dim3A, %broadcast_in_dim3A_28 : vector<16xi1>, vector<16xf32>
      %broadcast_in_dim3A_29 = vector.broadcast %squeeze3A_22 : f32 to vector<16xf32>
      %select_n3A_30 = arith.select %eq3A_20, %broadcast_in_dim3A_29, %select_n3A : vector<16xi1>, vector<16xf32>
      %broadcast_in_dim3A_31 = vector.broadcast %squeeze3A : f32 to vector<16xf32>
      %select_n3A_32 = arith.select %eq3A_17, %broadcast_in_dim3A_31, %select_n3A_30 : vector<16xi1>, vector<16xf32>
      %get3A_33 = arith.constant 0 : i32
      %get3A_34 = arith.index_cast %get3A_33 : i32 to index
      %get3A_35 = arith.constant 0 : index
      %get3A_36 = tpu.vector_load %arg8[%get3A_34, %get3A_35] {strides = array<i32>} : memref<32x128xf32, #tpu.memory_space<vmem>>, vector<16xf32>,
      %sub3A = arith.subf %get3A_36, %select_n3A_32 : vector<16xf32>
      %swap3A = arith.constant 0 : i32
      %swap3A_37 = arith.index_cast %swap3A : i32 to index
      %swap3A_38 = arith.constant 0 : index
      %swap3A_39 = tpu.vector_load %arg9[%swap3A_37, %swap3A_38] {strides = array<i32>} : memref<32x32xf32, #tpu.memory_space<vmem>>, vector<16xf32>,
      tpu.vector_store %arg9[%swap3A_37, %swap3A_38], %sub3A {strides = array<i32>} : memref<32x32xf32, #tpu.memory_space<vmem>>, vector<16xf32>,
      %get3A_40 = arith.constant 0 : i32
      %get3A_41 = arith.index_cast %get3A_40 : i32 to index
      %get3A_42 = arith.constant 16 : index
      %get3A_43 = tpu.vector_load %arg8[%get3A_41, %get3A_42] {strides = array<i32>} : memref<32x128xf32, #tpu.memory_space<vmem>>, vector<16xf32>,
      %swap3A_44 = arith.constant 0 : i32
      %swap3A_45 = arith.index_cast %swap3A_44 : i32 to index
      %swap3A_46 = arith.constant 16 : index
      %swap3A_47 = tpu.vector_load %arg9[%swap3A_45, %swap3A_46] {strides = array<i32>} : memref<32x32xf32, #tpu.memory_space<vmem>>, vector<16xf32>,
      tpu.vector_store %arg9[%swap3A_45, %swap3A_46], %get3A_43 {strides = array<i32>} : memref<32x32xf32, #tpu.memory_space<vmem>>, vector<16xf32>,
      %get3A_48 = arith.constant 1 : i32
      %get3A_49 = arith.index_cast %get3A_48 : i32 to index
      %get3A_50 = arith.constant 0 : index
      %get3A_51 = tpu.vector_load %arg8[%get3A_49, %get3A_50] {strides = array<i32>} : memref<32x128xf32, #tpu.memory_space<vmem>>, vector<16xf32>,
      %sub3A_52 = arith.subf %get3A_51, %select_n3A_32 : vector<16xf32>
      %swap3A_53 = arith.constant 1 : i32
      %swap3A_54 = arith.index_cast %swap3A_53 : i32 to index
      %swap3A_55 = arith.constant 0 : index
      %swap3A_56 = tpu.vector_load %arg9[%swap3A_54, %swap3A_55] {strides = array<i32>} : memref<32x32xf32, #tpu.memory_space<vmem>>, vector<16xf32>,
      tpu.vector_store %arg9[%swap3A_54, %swap3A_55], %sub3A_52 {strides = array<i32>} : memref<32x32xf32, #tpu.memory_space<vmem>>, vector<16xf32>,
      %get3A_57 = arith.constant 1 : i32
      %get3A_58 = arith.index_cast %get3A_57 : i32 to index
      %get3A_59 = arith.constant 16 : index
      %get3A_60 = tpu.vector_load %arg8[%get3A_58, %get3A_59] {strides = array<i32>} : memref<32x128xf32, #tpu.memory_space<vmem>>, vector<16xf32>,
      %swap3A_61 = arith.constant 1 : i32
      %swap3A_62 = arith.index_cast %swap3A_61 : i32 to index
      %swap3A_63 = arith.constant 16 : index
      %swap3A_64 = tpu.vector_load %arg9[%swap3A_62, %swap3A_63] {strides = array<i32>} : memref<32x32xf32, #tpu.memory_space<vmem>>, vector<16xf32>,
      tpu.vector_store %arg9[%swap3A_62, %swap3A_63], %get3A_60 {strides = array<i32>} : memref<32x32xf32, #tpu.memory_space<vmem>>, vector<16xf32>,
      %get3A_65 = arith.constant 2 : i32
      %get3A_66 = arith.index_cast %get3A_65 : i32 to index
      %get3A_67 = arith.constant 0 : index
      %get3A_68 = tpu.vector_load %arg8[%get3A_66, %get3A_67] {strides = array<i32>} : memref<32x128xf32, #tpu.memory_space<vmem>>, vector<16xf32>,
      %sub3A_69 = arith.subf %get3A_68, %select_n3A_32 : vector<16xf32>
      %swap3A_70 = arith.constant 2 : i32
      %swap3A_71 = arith.index_cast %swap3A_70 : i32 to index
      %swap3A_72 = arith.constant 0 : index
      %swap3A_73 = tpu.vector_load %arg9[%swap3A_71, %swap3A_72] {strides = array<i32>} : memref<32x32xf32, #tpu.memory_space<vmem>>, vector<16xf32>,
      tpu.vector_store %arg9[%swap3A_71, %swap3A_72], %sub3A_69 {strides = array<i32>} : memref<32x32xf32, #tpu.memory_space<vmem>>, vector<16xf32>,
      %get3A_74 = arith.constant 2 : i32
      %get3A_75 = arith.index_cast %get3A_74 : i32 to index
      %get3A_76 = arith.constant 16 : index
      %get3A_77 = tpu.vector_load %arg8[%get3A_75, %get3A_76] {strides = array<i32>} : memref<32x128xf32, #tpu.memory_space<vmem>>, vector<16xf32>,
      %swap3A_78 = arith.constant 2 : i32
      %swap3A_79 = arith.index_cast %swap3A_78 : i32 to index
      %swap3A_80 = arith.constant 16 : index
      %swap3A_81 = tpu.vector_load %arg9[%swap3A_79, %swap3A_80] {strides = array<i32>} : memref<32x32xf32, #tpu.memory_space<vmem>>, vector<16xf32>,
      tpu.vector_store %arg9[%swap3A_79, %swap3A_80], %get3A_77 {strides = array<i32>} : memref<32x32xf32, #tpu.memory_space<vmem>>, vector<16xf32>,
      %get3A_82 = arith.constant 3 : i32
      %get3A_83 = arith.index_cast %get3A_82 : i32 to index
      %get3A_84 = arith.constant 0 : index
      %get3A_85 = tpu.vector_load %arg8[%get3A_83, %get3A_84] {strides = array<i32>} : memref<32x128xf32, #tpu.memory_space<vmem>>, vector<16xf32>,
      %sub3A_86 = arith.subf %get3A_85, %select_n3A_32 : vector<16xf32>
      %swap3A_87 = arith.constant 3 : i32
      %swap3A_88 = arith.index_cast %swap3A_87 : i32 to index
      %swap3A_89 = arith.constant 0 : index
      %swap3A_90 = tpu.vector_load %arg9[%swap3A_88, %swap3A_89] {strides = array<i32>} : memref<32x32xf32, #tpu.memory_space<vmem>>, vector<16xf32>,
      tpu.vector_store %arg9[%swap3A_88, %swap3A_89], %sub3A_86 {strides = array<i32>} : memref<32x32xf32, #tpu.memory_space<vmem>>, vector<16xf32>,
      %get3A_91 = arith.constant 3 : i32
      %get3A_92 = arith.index_cast %get3A_91 : i32 to index
      %get3A_93 = arith.constant 16 : index
      %get3A_94 = tpu.vector_load %arg8[%get3A_92, %get3A_93] {strides = array<i32>} : memref<32x128xf32, #tpu.memory_space<vmem>>, vector<16xf32>,
      %swap3A_95 = arith.constant 3 : i32
      %swap3A_96 = arith.index_cast %swap3A_95 : i32 to index
      %swap3A_97 = arith.constant 16 : index
      %swap3A_98 = tpu.vector_load %arg9[%swap3A_96, %swap3A_97] {strides = array<i32>} : memref<32x32xf32, #tpu.memory_space<vmem>>, vector<16xf32>,
      tpu.vector_store %arg9[%swap3A_96, %swap3A_97], %get3A_94 {strides = array<i32>} : memref<32x32xf32, #tpu.memory_space<vmem>>, vector<16xf32>,
      %get3A_99 = arith.constant 4 : i32
      %get3A_100 = arith.index_cast %get3A_99 : i32 to index
      %get3A_101 = arith.constant 0 : index
      %get3A_102 = tpu.vector_load %arg8[%get3A_100, %get3A_101] {strides = array<i32>} : memref<32x128xf32, #tpu.memory_space<vmem>>, vector<16xf32>,
      %sub3A_103 = arith.subf %get3A_102, %select_n3A_32 : vector<16xf32>
      %swap3A_104 = arith.constant 4 : i32
      %swap3A_105 = arith.index_cast %swap3A_104 : i32 to index
      %swap3A_106 = arith.constant 0 : index
      %swap3A_107 = tpu.vector_load %arg9[%swap3A_105, %swap3A_106] {strides = array<i32>} : memref<32x32xf32, #tpu.memory_space<vmem>>, vector<16xf32>,
      tpu.vector_store %arg9[%swap3A_105, %swap3A_106], %sub3A_103 {strides = array<i32>} : memref<32x32xf32, #tpu.memory_space<vmem>>, vector<16xf32>,
      %get3A_108 = arith.constant 4 : i32
      %get3A_109 = arith.index_cast %get3A_108 : i32 to index
      %get3A_110 = arith.constant 16 : index
      %get3A_111 = tpu.vector_load %arg8[%get3A_109, %get3A_110] {strides = array<i32>} : memref<32x128xf32, #tpu.memory_space<vmem>>, vector<16xf32>,
      %swap3A_112 = arith.constant 4 : i32
      %swap3A_113 = arith.index_cast %swap3A_112 : i32 to index
      %swap3A_114 = arith.constant 16 : index
      %swap3A_115 = tpu.vector_load %arg9[%swap3A_113, %swap3A_114] {strides = array<i32>} : memref<32x32xf32, #tpu.memory_space<vmem>>, vector<16xf32>,
      tpu.vector_store %arg9[%swap3A_113, %swap3A_114], %get3A_111 {strides = array<i32>} : memref<32x32xf32, #tpu.memory_space<vmem>>, vector<16xf32>,
      %get3A_116 = arith.constant 5 : i32
      %get3A_117 = arith.index_cast %get3A_116 : i32 to index
      %get3A_118 = arith.constant 0 : index
      %get3A_119 = tpu.vector_load %arg8[%get3A_117, %get3A_118] {strides = array<i32>} : memref<32x128xf32, #tpu.memory_space<vmem>>, vector<16xf32>,
      %sub3A_120 = arith.subf %get3A_119, %select_n3A_32 : vector<16xf32>
      %swap3A_121 = arith.constant 5 : i32
      %swap3A_122 = arith.index_cast %swap3A_121 : i32 to index
      %swap3A_123 = arith.constant 0 : index
      %swap3A_124 = tpu.vector_load %arg9[%swap3A_122, %swap3A_123] {strides = array<i32>} : memref<32x32xf32, #tpu.memory_space<vmem>>, vector<16xf32>,
      tpu.vector_store %arg9[%swap3A_122, %swap3A_123], %sub3A_120 {strides = array<i32>} : memref<32x32xf32, #tpu.memory_space<vmem>>, vector<16xf32>,
      %get3A_125 = arith.constant 5 : i32
      %get3A_126 = arith.index_cast %get3A_125 : i32 to index
      %get3A_127 = arith.constant 16 : index
      %get3A_128 = tpu.vector_load %arg8[%get3A_126, %get3A_127] {strides = array<i32>} : memref<32x128xf32, #tpu.memory_space<vmem>>, vector<16xf32>,
      %swap3A_129 = arith.constant 5 : i32
      %swap3A_130 = arith.index_cast %swap3A_129 : i32 to index
      %swap3A_131 = arith.constant 16 : index
      %swap3A_132 = tpu.vector_load %arg9[%swap3A_130, %swap3A_131] {strides = array<i32>} : memref<32x32xf32, #tpu.memory_space<vmem>>, vector<16xf32>,
      tpu.vector_store %arg9[%swap3A_130, %swap3A_131], %get3A_128 {strides = array<i32>} : memref<32x32xf32, #tpu.memory_space<vmem>>, vector<16xf32>,
      %get3A_133 = arith.constant 6 : i32
      %get3A_134 = arith.index_cast %get3A_133 : i32 to index
      %get3A_135 = arith.constant 0 : index
      %get3A_136 = tpu.vector_load %arg8[%get3A_134, %get3A_135] {strides = array<i32>} : memref<32x128xf32, #tpu.memory_space<vmem>>, vector<16xf32>,
      %sub3A_137 = arith.subf %get3A_136, %select_n3A_32 : vector<16xf32>
      %swap3A_138 = arith.constant 6 : i32
      %swap3A_139 = arith.index_cast %swap3A_138 : i32 to index
      %swap3A_140 = arith.constant 0 : index
      %swap3A_141 = tpu.vector_load %arg9[%swap3A_139, %swap3A_140] {strides = array<i32>} : memref<32x32xf32, #tpu.memory_space<vmem>>, vector<16xf32>,
      tpu.vector_store %arg9[%swap3A_139, %swap3A_140], %sub3A_137 {strides = array<i32>} : memref<32x32xf32, #tpu.memory_space<vmem>>, vector<16xf32>,
      %get3A_142 = arith.constant 6 : i32
      %get3A_143 = arith.index_cast %get3A_142 : i32 to index
      %get3A_144 = arith.constant 16 : index
      %get3A_145 = tpu.vector_load %arg8[%get3A_143, %get3A_144] {strides = array<i32>} : memref<32x128xf32, #tpu.memory_space<vmem>>, vector<16xf32>,
      %swap3A_146 = arith.constant 6 : i32
      %swap3A_147 = arith.index_cast %swap3A_146 : i32 to index
      %swap3A_148 = arith.constant 16 : index
      %swap3A_149 = tpu.vector_load %arg9[%swap3A_147, %swap3A_148] {strides = array<i32>} : memref<32x32xf32, #tpu.memory_space<vmem>>, vector<16xf32>,
      tpu.vector_store %arg9[%swap3A_147, %swap3A_148], %get3A_145 {strides = array<i32>} : memref<32x32xf32, #tpu.memory_space<vmem>>, vector<16xf32>,
      %get3A_150 = arith.constant 7 : i32
      %get3A_151 = arith.index_cast %get3A_150 : i32 to index
      %get3A_152 = arith.constant 0 : index
      %get3A_153 = tpu.vector_load %arg8[%get3A_151, %get3A_152] {strides = array<i32>} : memref<32x128xf32, #tpu.memory_space<vmem>>, vector<16xf32>,
      %sub3A_154 = arith.subf %get3A_153, %select_n3A_32 : vector<16xf32>
      %swap3A_155 = arith.constant 7 : i32
      %swap3A_156 = arith.index_cast %swap3A_155 : i32 to index
      %swap3A_157 = arith.constant 0 : index
      %swap3A_158 = tpu.vector_load %arg9[%swap3A_156, %swap3A_157] {strides = array<i32>} : memref<32x32xf32, #tpu.memory_space<vmem>>, vector<16xf32>,
      tpu.vector_store %arg9[%swap3A_156, %swap3A_157], %sub3A_154 {strides = array<i32>} : memref<32x32xf32, #tpu.memory_space<vmem>>, vector<16xf32>,
      %get3A_159 = arith.constant 7 : i32
      %get3A_160 = arith.index_cast %get3A_159 : i32 to index
      %get3A_161 = arith.constant 16 : index
      %get3A_162 = tpu.vector_load %arg8[%get3A_160, %get3A_161] {strides = array<i32>} : memref<32x128xf32, #tpu.memory_space<vmem>>, vector<16xf32>,
      %swap3A_163 = arith.constant 7 : i32
      %swap3A_164 = arith.index_cast %swap3A_163 : i32 to index
      %swap3A_165 = arith.constant 16 : index
      %swap3A_166 = tpu.vector_load %arg9[%swap3A_164, %swap3A_165] {strides = array<i32>} : memref<32x32xf32, #tpu.memory_space<vmem>>, vector<16xf32>,
      tpu.vector_store %arg9[%swap3A_164, %swap3A_165], %get3A_162 {strides = array<i32>} : memref<32x32xf32, #tpu.memory_space<vmem>>, vector<16xf32>,
      %get3A_167 = arith.constant 8 : i32
      %get3A_168 = arith.index_cast %get3A_167 : i32 to index
      %get3A_169 = arith.constant 0 : index
      %get3A_170 = tpu.vector_load %arg8[%get3A_168, %get3A_169] {strides = array<i32>} : memref<32x128xf32, #tpu.memory_space<vmem>>, vector<16xf32>,
      %sub3A_171 = arith.subf %get3A_170, %select_n3A_32 : vector<16xf32>
      %swap3A_172 = arith.constant 8 : i32
      %swap3A_173 = arith.index_cast %swap3A_172 : i32 to index
      %swap3A_174 = arith.constant 0 : index
      %swap3A_175 = tpu.vector_load %arg9[%swap3A_173, %swap3A_174] {strides = array<i32>} : memref<32x32xf32, #tpu.memory_space<vmem>>, vector<16xf32>,
      tpu.vector_store %arg9[%swap3A_173, %swap3A_174], %sub3A_171 {strides = array<i32>} : memref<32x32xf32, #tpu.memory_space<vmem>>, vector<16xf32>,
      %get3A_176 = arith.constant 8 : i32
      %get3A_177 = arith.index_cast %get3A_176 : i32 to index
      %get3A_178 = arith.constant 16 : index
      %get3A_179 = tpu.vector_load %arg8[%get3A_177, %get3A_178] {strides = array<i32>} : memref<32x128xf32, #tpu.memory_space<vmem>>, vector<16xf32>,
      %swap3A_180 = arith.constant 8 : i32
      %swap3A_181 = arith.index_cast %swap3A_180 : i32 to index
      %swap3A_182 = arith.constant 16 : index
      %swap3A_183 = tpu.vector_load %arg9[%swap3A_181, %swap3A_182] {strides = array<i32>} : memref<32x32xf32, #tpu.memory_space<vmem>>, vector<16xf32>,
      tpu.vector_store %arg9[%swap3A_181, %swap3A_182], %get3A_179 {strides = array<i32>} : memref<32x32xf32, #tpu.memory_space<vmem>>, vector<16xf32>,
      %get3A_184 = arith.constant 9 : i32
      %get3A_185 = arith.index_cast %get3A_184 : i32 to index
      %get3A_186 = arith.constant 0 : index
      %get3A_187 = tpu.vector_load %arg8[%get3A_185, %get3A_186] {strides = array<i32>} : memref<32x128xf32, #tpu.memory_space<vmem>>, vector<16xf32>,
      %sub3A_188 = arith.subf %get3A_187, %select_n3A_32 : vector<16xf32>
      %swap3A_189 = arith.constant 9 : i32
      %swap3A_190 = arith.index_cast %swap3A_189 : i32 to index
      %swap3A_191 = arith.constant 0 : index
      %swap3A_192 = tpu.vector_load %arg9[%swap3A_190, %swap3A_191] {strides = array<i32>} : memref<32x32xf32, #tpu.memory_space<vmem>>, vector<16xf32>,
      tpu.vector_store %arg9[%swap3A_190, %swap3A_191], %sub3A_188 {strides = array<i32>} : memref<32x32xf32, #tpu.memory_space<vmem>>, vector<16xf32>,
      %get3A_193 = arith.constant 9 : i32
      %get3A_194 = arith.index_cast %get3A_193 : i32 to index
      %get3A_195 = arith.constant 16 : index
      %get3A_196 = tpu.vector_load %arg8[%get3A_194, %get3A_195] {strides = array<i32>} : memref<32x128xf32, #tpu.memory_space<vmem>>, vector<16xf32>,
      %swap3A_197 = arith.constant 9 : i32
      %swap3A_198 = arith.index_cast %swap3A_197 : i32 to index
      %swap3A_199 = arith.constant 16 : index
      %swap3A_200 = tpu.vector_load %arg9[%swap3A_198, %swap3A_199] {strides = array<i32>} : memref<32x32xf32, #tpu.memory_space<vmem>>, vector<16xf32>,
      tpu.vector_store %arg9[%swap3A_198, %swap3A_199], %get3A_196 {strides = array<i32>} : memref<32x32xf32, #tpu.memory_space<vmem>>, vector<16xf32>,
      %get3A_201 = arith.constant 10 : i32
      %get3A_202 = arith.index_cast %get3A_201 : i32 to index
      %get3A_203 = arith.constant 0 : index
      %get3A_204 = tpu.vector_load %arg8[%get3A_202, %get3A_203] {strides = array<i32>} : memref<32x128xf32, #tpu.memory_space<vmem>>, vector<16xf32>,
      %sub3A_205 = arith.subf %get3A_204, %select_n3A_32 : vector<16xf32>
      %swap3A_206 = arith.constant 10 : i32
      %swap3A_207 = arith.index_cast %swap3A_206 : i32 to index
      %swap3A_208 = arith.constant 0 : index
      %swap3A_209 = tpu.vector_load %arg9[%swap3A_207, %swap3A_208] {strides = array<i32>} : memref<32x32xf32, #tpu.memory_space<vmem>>, vector<16xf32>,
      tpu.vector_store %arg9[%swap3A_207, %swap3A_208], %sub3A_205 {strides = array<i32>} : memref<32x32xf32, #tpu.memory_space<vmem>>, vector<16xf32>,
      %get3A_210 = arith.constant 10 : i32
      %get3A_211 = arith.index_cast %get3A_210 : i32 to index
      %get3A_212 = arith.constant 16 : index
      %get3A_213 = tpu.vector_load %arg8[%get3A_211, %get3A_212] {strides = array<i32>} : memref<32x128xf32, #tpu.memory_space<vmem>>, vector<16xf32>,
      %swap3A_214 = arith.constant 10 : i32
      %swap3A_215 = arith.index_cast %swap3A_214 : i32 to index
      %swap3A_216 = arith.constant 16 : index
      %swap3A_217 = tpu.vector_load %arg9[%swap3A_215, %swap3A_216] {strides = array<i32>} : memref<32x32xf32, #tpu.memory_space<vmem>>, vector<16xf32>,
      tpu.vector_store %arg9[%swap3A_215, %swap3A_216], %get3A_213 {strides = array<i32>} : memref<32x32xf32, #tpu.memory_space<vmem>>, vector<16xf32>,
      %get3A_218 = arith.constant 11 : i32
      %get3A_219 = arith.index_cast %get3A_218 : i32 to index
      %get3A_220 = arith.constant 0 : index
      %get3A_221 = tpu.vector_load %arg8[%get3A_219, %get3A_220] {strides = array<i32>} : memref<32x128xf32, #tpu.memory_space<vmem>>, vector<16xf32>,
      %sub3A_222 = arith.subf %get3A_221, %select_n3A_32 : vector<16xf32>
      %swap3A_223 = arith.constant 11 : i32
      %swap3A_224 = arith.index_cast %swap3A_223 : i32 to index
      %swap3A_225 = arith.constant 0 : index
      %swap3A_226 = tpu.vector_load %arg9[%swap3A_224, %swap3A_225] {strides = array<i32>} : memref<32x32xf32, #tpu.memory_space<vmem>>, vector<16xf32>,
      tpu.vector_store %arg9[%swap3A_224, %swap3A_225], %sub3A_222 {strides = array<i32>} : memref<32x32xf32, #tpu.memory_space<vmem>>, vector<16xf32>,
      %get3A_227 = arith.constant 11 : i32
      %get3A_228 = arith.index_cast %get3A_227 : i32 to index
      %get3A_229 = arith.constant 16 : index
      %get3A_230 = tpu.vector_load %arg8[%get3A_228, %get3A_229] {strides = array<i32>} : memref<32x128xf32, #tpu.memory_space<vmem>>, vector<16xf32>,
      %swap3A_231 = arith.constant 11 : i32
      %swap3A_232 = arith.index_cast %swap3A_231 : i32 to index
      %swap3A_233 = arith.constant 16 : index
      %swap3A_234 = tpu.vector_load %arg9[%swap3A_232, %swap3A_233] {strides = array<i32>} : memref<32x32xf32, #tpu.memory_space<vmem>>, vector<16xf32>,
      tpu.vector_store %arg9[%swap3A_232, %swap3A_233], %get3A_230 {strides = array<i32>} : memref<32x32xf32, #tpu.memory_space<vmem>>, vector<16xf32>,
      %get3A_235 = arith.constant 12 : i32
      %get3A_236 = arith.index_cast %get3A_235 : i32 to index
      %get3A_237 = arith.constant 0 : index
      %get3A_238 = tpu.vector_load %arg8[%get3A_236, %get3A_237] {strides = array<i32>} : memref<32x128xf32, #tpu.memory_space<vmem>>, vector<16xf32>,
      %sub3A_239 = arith.subf %get3A_238, %select_n3A_32 : vector<16xf32>
      %swap3A_240 = arith.constant 12 : i32
      %swap3A_241 = arith.index_cast %swap3A_240 : i32 to index
      %swap3A_242 = arith.constant 0 : index
      %swap3A_243 = tpu.vector_load %arg9[%swap3A_241, %swap3A_242] {strides = array<i32>} : memref<32x32xf32, #tpu.memory_space<vmem>>, vector<16xf32>,
      tpu.vector_store %arg9[%swap3A_241, %swap3A_242], %sub3A_239 {strides = array<i32>} : memref<32x32xf32, #tpu.memory_space<vmem>>, vector<16xf32>,
      %get3A_244 = arith.constant 12 : i32
      %get3A_245 = arith.index_cast %get3A_244 : i32 to index
      %get3A_246 = arith.constant 16 : index
      %get3A_247 = tpu.vector_load %arg8[%get3A_245, %get3A_246] {strides = array<i32>} : memref<32x128xf32, #tpu.memory_space<vmem>>, vector<16xf32>,
      %swap3A_248 = arith.constant 12 : i32
      %swap3A_249 = arith.index_cast %swap3A_248 : i32 to index
      %swap3A_250 = arith.constant 16 : index
      %swap3A_251 = tpu.vector_load %arg9[%swap3A_249, %swap3A_250] {strides = array<i32>} : memref<32x32xf32, #tpu.memory_space<vmem>>, vector<16xf32>,
      tpu.vector_store %arg9[%swap3A_249, %swap3A_250], %get3A_247 {strides = array<i32>} : memref<32x32xf32, #tpu.memory_space<vmem>>, vector<16xf32>,
      %get3A_252 = arith.constant 13 : i32
      %get3A_253 = arith.index_cast %get3A_252 : i32 to index
      %get3A_254 = arith.constant 0 : index
      %get3A_255 = tpu.vector_load %arg8[%get3A_253, %get3A_254] {strides = array<i32>} : memref<32x128xf32, #tpu.memory_space<vmem>>, vector<16xf32>,
      %sub3A_256 = arith.subf %get3A_255, %select_n3A_32 : vector<16xf32>
      %swap3A_257 = arith.constant 13 : i32
      %swap3A_258 = arith.index_cast %swap3A_257 : i32 to index
      %swap3A_259 = arith.constant 0 : index
      %swap3A_260 = tpu.vector_load %arg9[%swap3A_258, %swap3A_259] {strides = array<i32>} : memref<32x32xf32, #tpu.memory_space<vmem>>, vector<16xf32>,
      tpu.vector_store %arg9[%swap3A_258, %swap3A_259], %sub3A_256 {strides = array<i32>} : memref<32x32xf32, #tpu.memory_space<vmem>>, vector<16xf32>,
      %get3A_261 = arith.constant 13 : i32
      %get3A_262 = arith.index_cast %get3A_261 : i32 to index
      %get3A_263 = arith.constant 16 : index
      %get3A_264 = tpu.vector_load %arg8[%get3A_262, %get3A_263] {strides = array<i32>} : memref<32x128xf32, #tpu.memory_space<vmem>>, vector<16xf32>,
      %swap3A_265 = arith.constant 13 : i32
      %swap3A_266 = arith.index_cast %swap3A_265 : i32 to index
      %swap3A_267 = arith.constant 16 : index
      %swap3A_268 = tpu.vector_load %arg9[%swap3A_266, %swap3A_267] {strides = array<i32>} : memref<32x32xf32, #tpu.memory_space<vmem>>, vector<16xf32>,
      tpu.vector_store %arg9[%swap3A_266, %swap3A_267], %get3A_264 {strides = array<i32>} : memref<32x32xf32, #tpu.memory_space<vmem>>, vector<16xf32>,
      %get3A_269 = arith.constant 14 : i32
      %get3A_270 = arith.index_cast %get3A_269 : i32 to index
      %get3A_271 = arith.constant 0 : index
      %get3A_272 = tpu.vector_load %arg8[%get3A_270, %get3A_271] {strides = array<i32>} : memref<32x128xf32, #tpu.memory_space<vmem>>, vector<16xf32>,
      %sub3A_273 = arith.subf %get3A_272, %select_n3A_32 : vector<16xf32>
      %swap3A_274 = arith.constant 14 : i32
      %swap3A_275 = arith.index_cast %swap3A_274 : i32 to index
      %swap3A_276 = arith.constant 0 : index
      %swap3A_277 = tpu.vector_load %arg9[%swap3A_275, %swap3A_276] {strides = array<i32>} : memref<32x32xf32, #tpu.memory_space<vmem>>, vector<16xf32>,
      tpu.vector_store %arg9[%swap3A_275, %swap3A_276], %sub3A_273 {strides = array<i32>} : memref<32x32xf32, #tpu.memory_space<vmem>>, vector<16xf32>,
      %get3A_278 = arith.constant 14 : i32
      %get3A_279 = arith.index_cast %get3A_278 : i32 to index
      %get3A_280 = arith.constant 16 : index
      %get3A_281 = tpu.vector_load %arg8[%get3A_279, %get3A_280] {strides = array<i32>} : memref<32x128xf32, #tpu.memory_space<vmem>>, vector<16xf32>,
      %swap3A_282 = arith.constant 14 : i32
      %swap3A_283 = arith.index_cast %swap3A_282 : i32 to index
      %swap3A_284 = arith.constant 16 : index
      %swap3A_285 = tpu.vector_load %arg9[%swap3A_283, %swap3A_284] {strides = array<i32>} : memref<32x32xf32, #tpu.memory_space<vmem>>, vector<16xf32>,
      tpu.vector_store %arg9[%swap3A_283, %swap3A_284], %get3A_281 {strides = array<i32>} : memref<32x32xf32, #tpu.memory_space<vmem>>, vector<16xf32>,
      %get3A_286 = arith.constant 15 : i32
      %get3A_287 = arith.index_cast %get3A_286 : i32 to index
      %get3A_288 = arith.constant 0 : index
      %get3A_289 = tpu.vector_load %arg8[%get3A_287, %get3A_288] {strides = array<i32>} : memref<32x128xf32, #tpu.memory_space<vmem>>, vector<16xf32>,
      %sub3A_290 = arith.subf %get3A_289, %select_n3A_32 : vector<16xf32>
      %swap3A_291 = arith.constant 15 : i32
      %swap3A_292 = arith.index_cast %swap3A_291 : i32 to index
      %swap3A_293 = arith.constant 0 : index
      %swap3A_294 = tpu.vector_load %arg9[%swap3A_292, %swap3A_293] {strides = array<i32>} : memref<32x32xf32, #tpu.memory_space<vmem>>, vector<16xf32>,
      tpu.vector_store %arg9[%swap3A_292, %swap3A_293], %sub3A_290 {strides = array<i32>} : memref<32x32xf32, #tpu.memory_space<vmem>>, vector<16xf32>,
      %get3A_295 = arith.constant 15 : i32
      %get3A_296 = arith.index_cast %get3A_295 : i32 to index
      %get3A_297 = arith.constant 16 : index
      %get3A_298 = tpu.vector_load %arg8[%get3A_296, %get3A_297] {strides = array<i32>} : memref<32x128xf32, #tpu.memory_space<vmem>>, vector<16xf32>,
      %swap3A_299 = arith.constant 15 : i32
      %swap3A_300 = arith.index_cast %swap3A_299 : i32 to index
      %swap3A_301 = arith.constant 16 : index
      %swap3A_302 = tpu.vector_load %arg9[%swap3A_300, %swap3A_301] {strides = array<i32>} : memref<32x32xf32, #tpu.memory_space<vmem>>, vector<16xf32>,
      tpu.vector_store %arg9[%swap3A_300, %swap3A_301], %get3A_298 {strides = array<i32>} : memref<32x32xf32, #tpu.memory_space<vmem>>, vector<16xf32>,
      %get3A_303 = arith.constant 16 : i32
      %get3A_304 = arith.index_cast %get3A_303 : i32 to index
      %get3A_305 = arith.constant 0 : index
      %get3A_306 = tpu.vector_load %arg8[%get3A_304, %get3A_305] {strides = array<i32>} : memref<32x128xf32, #tpu.memory_space<vmem>>, vector<16xf32>,
      %sub3A_307 = arith.subf %get3A_306, %select_n3A_32 : vector<16xf32>
      %swap3A_308 = arith.constant 16 : i32
      %swap3A_309 = arith.index_cast %swap3A_308 : i32 to index
      %swap3A_310 = arith.constant 0 : index
      %swap3A_311 = tpu.vector_load %arg9[%swap3A_309, %swap3A_310] {strides = array<i32>} : memref<32x32xf32, #tpu.memory_space<vmem>>, vector<16xf32>,
      tpu.vector_store %arg9[%swap3A_309, %swap3A_310], %sub3A_307 {strides = array<i32>} : memref<32x32xf32, #tpu.memory_space<vmem>>, vector<16xf32>,
      %get3A_312 = arith.constant 16 : i32
      %get3A_313 = arith.index_cast %get3A_312 : i32 to index
      %get3A_314 = arith.constant 16 : index
      %get3A_315 = tpu.vector_load %arg8[%get3A_313, %get3A_314] {strides = array<i32>} : memref<32x128xf32, #tpu.memory_space<vmem>>, vector<16xf32>,
      %swap3A_316 = arith.constant 16 : i32
      %swap3A_317 = arith.index_cast %swap3A_316 : i32 to index
      %swap3A_318 = arith.constant 16 : index
      %swap3A_319 = tpu.vector_load %arg9[%swap3A_317, %swap3A_318] {strides = array<i32>} : memref<32x32xf32, #tpu.memory_space<vmem>>, vector<16xf32>,
      tpu.vector_store %arg9[%swap3A_317, %swap3A_318], %get3A_315 {strides = array<i32>} : memref<32x32xf32, #tpu.memory_space<vmem>>, vector<16xf32>,
      %get3A_320 = arith.constant 17 : i32
      %get3A_321 = arith.index_cast %get3A_320 : i32 to index
      %get3A_322 = arith.constant 0 : index
      %get3A_323 = tpu.vector_load %arg8[%get3A_321, %get3A_322] {strides = array<i32>} : memref<32x128xf32, #tpu.memory_space<vmem>>, vector<16xf32>,
      %sub3A_324 = arith.subf %get3A_323, %select_n3A_32 : vector<16xf32>
      %swap3A_325 = arith.constant 17 : i32
      %swap3A_326 = arith.index_cast %swap3A_325 : i32 to index
      %swap3A_327 = arith.constant 0 : index
      %swap3A_328 = tpu.vector_load %arg9[%swap3A_326, %swap3A_327] {strides = array<i32>} : memref<32x32xf32, #tpu.memory_space<vmem>>, vector<16xf32>,
      tpu.vector_store %arg9[%swap3A_326, %swap3A_327], %sub3A_324 {strides = array<i32>} : memref<32x32xf32, #tpu.memory_space<vmem>>, vector<16xf32>,
      %get3A_329 = arith.constant 17 : i32
      %get3A_330 = arith.index_cast %get3A_329 : i32 to index
      %get3A_331 = arith.constant 16 : index
      %get3A_332 = tpu.vector_load %arg8[%get3A_330, %get3A_331] {strides = array<i32>} : memref<32x128xf32, #tpu.memory_space<vmem>>, vector<16xf32>,
      %swap3A_333 = arith.constant 17 : i32
      %swap3A_334 = arith.index_cast %swap3A_333 : i32 to index
      %swap3A_335 = arith.constant 16 : index
      %swap3A_336 = tpu.vector_load %arg9[%swap3A_334, %swap3A_335] {strides = array<i32>} : memref<32x32xf32, #tpu.memory_space<vmem>>, vector<16xf32>,
      tpu.vector_store %arg9[%swap3A_334, %swap3A_335], %get3A_332 {strides = array<i32>} : memref<32x32xf32, #tpu.memory_space<vmem>>, vector<16xf32>,
      %get3A_337 = arith.constant 18 : i32
      %get3A_338 = arith.index_cast %get3A_337 : i32 to index
      %get3A_339 = arith.constant 0 : index
      %get3A_340 = tpu.vector_load %arg8[%get3A_338, %get3A_339] {strides = array<i32>} : memref<32x128xf32, #tpu.memory_space<vmem>>, vector<16xf32>,
      %sub3A_341 = arith.subf %get3A_340, %select_n3A_32 : vector<16xf32>
      %swap3A_342 = arith.constant 18 : i32
      %swap3A_343 = arith.index_cast %swap3A_342 : i32 to index
      %swap3A_344 = arith.constant 0 : index
      %swap3A_345 = tpu.vector_load %arg9[%swap3A_343, %swap3A_344] {strides = array<i32>} : memref<32x32xf32, #tpu.memory_space<vmem>>, vector<16xf32>,
      tpu.vector_store %arg9[%swap3A_343, %swap3A_344], %sub3A_341 {strides = array<i32>} : memref<32x32xf32, #tpu.memory_space<vmem>>, vector<16xf32>,
      %get3A_346 = arith.constant 18 : i32
      %get3A_347 = arith.index_cast %get3A_346 : i32 to index
      %get3A_348 = arith.constant 16 : index
      %get3A_349 = tpu.vector_load %arg8[%get3A_347, %get3A_348] {strides = array<i32>} : memref<32x128xf32, #tpu.memory_space<vmem>>, vector<16xf32>,
      %swap3A_350 = arith.constant 18 : i32
      %swap3A_351 = arith.index_cast %swap3A_350 : i32 to index
      %swap3A_352 = arith.constant 16 : index
      %swap3A_353 = tpu.vector_load %arg9[%swap3A_351, %swap3A_352] {strides = array<i32>} : memref<32x32xf32, #tpu.memory_space<vmem>>, vector<16xf32>,
      tpu.vector_store %arg9[%swap3A_351, %swap3A_352], %get3A_349 {strides = array<i32>} : memref<32x32xf32, #tpu.memory_space<vmem>>, vector<16xf32>,
      %get3A_354 = arith.constant 19 : i32
      %get3A_355 = arith.index_cast %get3A_354 : i32 to index
      %get3A_356 = arith.constant 0 : index
      %get3A_357 = tpu.vector_load %arg8[%get3A_355, %get3A_356] {strides = array<i32>} : memref<32x128xf32, #tpu.memory_space<vmem>>, vector<16xf32>,
      %sub3A_358 = arith.subf %get3A_357, %select_n3A_32 : vector<16xf32>
      %swap3A_359 = arith.constant 19 : i32
      %swap3A_360 = arith.index_cast %swap3A_359 : i32 to index
      %swap3A_361 = arith.constant 0 : index
      %swap3A_362 = tpu.vector_load %arg9[%swap3A_360, %swap3A_361] {strides = array<i32>} : memref<32x32xf32, #tpu.memory_space<vmem>>, vector<16xf32>,
      tpu.vector_store %arg9[%swap3A_360, %swap3A_361], %sub3A_358 {strides = array<i32>} : memref<32x32xf32, #tpu.memory_space<vmem>>, vector<16xf32>,
      %get3A_363 = arith.constant 19 : i32
      %get3A_364 = arith.index_cast %get3A_363 : i32 to index
      %get3A_365 = arith.constant 16 : index
      %get3A_366 = tpu.vector_load %arg8[%get3A_364, %get3A_365] {strides = array<i32>} : memref<32x128xf32, #tpu.memory_space<vmem>>, vector<16xf32>,
      %swap3A_367 = arith.constant 19 : i32
      %swap3A_368 = arith.index_cast %swap3A_367 : i32 to index
      %swap3A_369 = arith.constant 16 : index
      %swap3A_370 = tpu.vector_load %arg9[%swap3A_368, %swap3A_369] {strides = array<i32>} : memref<32x32xf32, #tpu.memory_space<vmem>>, vector<16xf32>,
      tpu.vector_store %arg9[%swap3A_368, %swap3A_369], %get3A_366 {strides = array<i32>} : memref<32x32xf32, #tpu.memory_space<vmem>>, vector<16xf32>,
      %get3A_371 = arith.constant 20 : i32
      %get3A_372 = arith.index_cast %get3A_371 : i32 to index
      %get3A_373 = arith.constant 0 : index
      %get3A_374 = tpu.vector_load %arg8[%get3A_372, %get3A_373] {strides = array<i32>} : memref<32x128xf32, #tpu.memory_space<vmem>>, vector<16xf32>,
      %sub3A_375 = arith.subf %get3A_374, %select_n3A_32 : vector<16xf32>
      %swap3A_376 = arith.constant 20 : i32
      %swap3A_377 = arith.index_cast %swap3A_376 : i32 to index
      %swap3A_378 = arith.constant 0 : index
      %swap3A_379 = tpu.vector_load %arg9[%swap3A_377, %swap3A_378] {strides = array<i32>} : memref<32x32xf32, #tpu.memory_space<vmem>>, vector<16xf32>,
      tpu.vector_store %arg9[%swap3A_377, %swap3A_378], %sub3A_375 {strides = array<i32>} : memref<32x32xf32, #tpu.memory_space<vmem>>, vector<16xf32>,
      %get3A_380 = arith.constant 20 : i32
      %get3A_381 = arith.index_cast %get3A_380 : i32 to index
      %get3A_382 = arith.constant 16 : index
      %get3A_383 = tpu.vector_load %arg8[%get3A_381, %get3A_382] {strides = array<i32>} : memref<32x128xf32, #tpu.memory_space<vmem>>, vector<16xf32>,
      %swap3A_384 = arith.constant 20 : i32
      %swap3A_385 = arith.index_cast %swap3A_384 : i32 to index
      %swap3A_386 = arith.constant 16 : index
      %swap3A_387 = tpu.vector_load %arg9[%swap3A_385, %swap3A_386] {strides = array<i32>} : memref<32x32xf32, #tpu.memory_space<vmem>>, vector<16xf32>,
      tpu.vector_store %arg9[%swap3A_385, %swap3A_386], %get3A_383 {strides = array<i32>} : memref<32x32xf32, #tpu.memory_space<vmem>>, vector<16xf32>,
      %get3A_388 = arith.constant 21 : i32
      %get3A_389 = arith.index_cast %get3A_388 : i32 to index
      %get3A_390 = arith.constant 0 : index
      %get3A_391 = tpu.vector_load %arg8[%get3A_389, %get3A_390] {strides = array<i32>} : memref<32x128xf32, #tpu.memory_space<vmem>>, vector<16xf32>,
      %sub3A_392 = arith.subf %get3A_391, %select_n3A_32 : vector<16xf32>
      %swap3A_393 = arith.constant 21 : i32
      %swap3A_394 = arith.index_cast %swap3A_393 : i32 to index
      %swap3A_395 = arith.constant 0 : index
      %swap3A_396 = tpu.vector_load %arg9[%swap3A_394, %swap3A_395] {strides = array<i32>} : memref<32x32xf32, #tpu.memory_space<vmem>>, vector<16xf32>,
      tpu.vector_store %arg9[%swap3A_394, %swap3A_395], %sub3A_392 {strides = array<i32>} : memref<32x32xf32, #tpu.memory_space<vmem>>, vector<16xf32>,
      %get3A_397 = arith.constant 21 : i32
      %get3A_398 = arith.index_cast %get3A_397 : i32 to index
      %get3A_399 = arith.constant 16 : index
      %get3A_400 = tpu.vector_load %arg8[%get3A_398, %get3A_399] {strides = array<i32>} : memref<32x128xf32, #tpu.memory_space<vmem>>, vector<16xf32>,
      %swap3A_401 = arith.constant 21 : i32
      %swap3A_402 = arith.index_cast %swap3A_401 : i32 to index
      %swap3A_403 = arith.constant 16 : index
      %swap3A_404 = tpu.vector_load %arg9[%swap3A_402, %swap3A_403] {strides = array<i32>} : memref<32x32xf32, #tpu.memory_space<vmem>>, vector<16xf32>,
      tpu.vector_store %arg9[%swap3A_402, %swap3A_403], %get3A_400 {strides = array<i32>} : memref<32x32xf32, #tpu.memory_space<vmem>>, vector<16xf32>,
      %get3A_405 = arith.constant 22 : i32
      %get3A_406 = arith.index_cast %get3A_405 : i32 to index
      %get3A_407 = arith.constant 0 : index
      %get3A_408 = tpu.vector_load %arg8[%get3A_406, %get3A_407] {strides = array<i32>} : memref<32x128xf32, #tpu.memory_space<vmem>>, vector<16xf32>,
      %sub3A_409 = arith.subf %get3A_408, %select_n3A_32 : vector<16xf32>
      %swap3A_410 = arith.constant 22 : i32
      %swap3A_411 = arith.index_cast %swap3A_410 : i32 to index
      %swap3A_412 = arith.constant 0 : index
      %swap3A_413 = tpu.vector_load %arg9[%swap3A_411, %swap3A_412] {strides = array<i32>} : memref<32x32xf32, #tpu.memory_space<vmem>>, vector<16xf32>,
      tpu.vector_store %arg9[%swap3A_411, %swap3A_412], %sub3A_409 {strides = array<i32>} : memref<32x32xf32, #tpu.memory_space<vmem>>, vector<16xf32>,
      %get3A_414 = arith.constant 22 : i32
      %get3A_415 = arith.index_cast %get3A_414 : i32 to index
      %get3A_416 = arith.constant 16 : index
      %get3A_417 = tpu.vector_load %arg8[%get3A_415, %get3A_416] {strides = array<i32>} : memref<32x128xf32, #tpu.memory_space<vmem>>, vector<16xf32>,
      %swap3A_418 = arith.constant 22 : i32
      %swap3A_419 = arith.index_cast %swap3A_418 : i32 to index
      %swap3A_420 = arith.constant 16 : index
      %swap3A_421 = tpu.vector_load %arg9[%swap3A_419, %swap3A_420] {strides = array<i32>} : memref<32x32xf32, #tpu.memory_space<vmem>>, vector<16xf32>,
      tpu.vector_store %arg9[%swap3A_419, %swap3A_420], %get3A_417 {strides = array<i32>} : memref<32x32xf32, #tpu.memory_space<vmem>>, vector<16xf32>,
      %get3A_422 = arith.constant 23 : i32
      %get3A_423 = arith.index_cast %get3A_422 : i32 to index
      %get3A_424 = arith.constant 0 : index
      %get3A_425 = tpu.vector_load %arg8[%get3A_423, %get3A_424] {strides = array<i32>} : memref<32x128xf32, #tpu.memory_space<vmem>>, vector<16xf32>,
      %sub3A_426 = arith.subf %get3A_425, %select_n3A_32 : vector<16xf32>
      %swap3A_427 = arith.constant 23 : i32
      %swap3A_428 = arith.index_cast %swap3A_427 : i32 to index
      %swap3A_429 = arith.constant 0 : index
      %swap3A_430 = tpu.vector_load %arg9[%swap3A_428, %swap3A_429] {strides = array<i32>} : memref<32x32xf32, #tpu.memory_space<vmem>>, vector<16xf32>,
      tpu.vector_store %arg9[%swap3A_428, %swap3A_429], %sub3A_426 {strides = array<i32>} : memref<32x32xf32, #tpu.memory_space<vmem>>, vector<16xf32>,
      %get3A_431 = arith.constant 23 : i32
      %get3A_432 = arith.index_cast %get3A_431 : i32 to index
      %get3A_433 = arith.constant 16 : index
      %get3A_434 = tpu.vector_load %arg8[%get3A_432, %get3A_433] {strides = array<i32>} : memref<32x128xf32, #tpu.memory_space<vmem>>, vector<16xf32>,
      %swap3A_435 = arith.constant 23 : i32
      %swap3A_436 = arith.index_cast %swap3A_435 : i32 to index
      %swap3A_437 = arith.constant 16 : index
      %swap3A_438 = tpu.vector_load %arg9[%swap3A_436, %swap3A_437] {strides = array<i32>} : memref<32x32xf32, #tpu.memory_space<vmem>>, vector<16xf32>,
      tpu.vector_store %arg9[%swap3A_436, %swap3A_437], %get3A_434 {strides = array<i32>} : memref<32x32xf32, #tpu.memory_space<vmem>>, vector<16xf32>,
      %get3A_439 = arith.constant 24 : i32
      %get3A_440 = arith.index_cast %get3A_439 : i32 to index
      %get3A_441 = arith.constant 0 : index
      %get3A_442 = tpu.vector_load %arg8[%get3A_440, %get3A_441] {strides = array<i32>} : memref<32x128xf32, #tpu.memory_space<vmem>>, vector<16xf32>,
      %sub3A_443 = arith.subf %get3A_442, %select_n3A_32 : vector<16xf32>
      %swap3A_444 = arith.constant 24 : i32
      %swap3A_445 = arith.index_cast %swap3A_444 : i32 to index
      %swap3A_446 = arith.constant 0 : index
      %swap3A_447 = tpu.vector_load %arg9[%swap3A_445, %swap3A_446] {strides = array<i32>} : memref<32x32xf32, #tpu.memory_space<vmem>>, vector<16xf32>,
      tpu.vector_store %arg9[%swap3A_445, %swap3A_446], %sub3A_443 {strides = array<i32>} : memref<32x32xf32, #tpu.memory_space<vmem>>, vector<16xf32>,
      %get3A_448 = arith.constant 24 : i32
      %get3A_449 = arith.index_cast %get3A_448 : i32 to index
      %get3A_450 = arith.constant 16 : index
      %get3A_451 = tpu.vector_load %arg8[%get3A_449, %get3A_450] {strides = array<i32>} : memref<32x128xf32, #tpu.memory_space<vmem>>, vector<16xf32>,
      %swap3A_452 = arith.constant 24 : i32
      %swap3A_453 = arith.index_cast %swap3A_452 : i32 to index
      %swap3A_454 = arith.constant 16 : index
      %swap3A_455 = tpu.vector_load %arg9[%swap3A_453, %swap3A_454] {strides = array<i32>} : memref<32x32xf32, #tpu.memory_space<vmem>>, vector<16xf32>,
      tpu.vector_store %arg9[%swap3A_453, %swap3A_454], %get3A_451 {strides = array<i32>} : memref<32x32xf32, #tpu.memory_space<vmem>>, vector<16xf32>,
      %get3A_456 = arith.constant 25 : i32
      %get3A_457 = arith.index_cast %get3A_456 : i32 to index
      %get3A_458 = arith.constant 0 : index
      %get3A_459 = tpu.vector_load %arg8[%get3A_457, %get3A_458] {strides = array<i32>} : memref<32x128xf32, #tpu.memory_space<vmem>>, vector<16xf32>,
      %sub3A_460 = arith.subf %get3A_459, %select_n3A_32 : vector<16xf32>
      %swap3A_461 = arith.constant 25 : i32
      %swap3A_462 = arith.index_cast %swap3A_461 : i32 to index
      %swap3A_463 = arith.constant 0 : index
      %swap3A_464 = tpu.vector_load %arg9[%swap3A_462, %swap3A_463] {strides = array<i32>} : memref<32x32xf32, #tpu.memory_space<vmem>>, vector<16xf32>,
      tpu.vector_store %arg9[%swap3A_462, %swap3A_463], %sub3A_460 {strides = array<i32>} : memref<32x32xf32, #tpu.memory_space<vmem>>, vector<16xf32>,
      %get3A_465 = arith.constant 25 : i32
      %get3A_466 = arith.index_cast %get3A_465 : i32 to index
      %get3A_467 = arith.constant 16 : index
      %get3A_468 = tpu.vector_load %arg8[%get3A_466, %get3A_467] {strides = array<i32>} : memref<32x128xf32, #tpu.memory_space<vmem>>, vector<16xf32>,
      %swap3A_469 = arith.constant 25 : i32
      %swap3A_470 = arith.index_cast %swap3A_469 : i32 to index
      %swap3A_471 = arith.constant 16 : index
      %swap3A_472 = tpu.vector_load %arg9[%swap3A_470, %swap3A_471] {strides = array<i32>} : memref<32x32xf32, #tpu.memory_space<vmem>>, vector<16xf32>,
      tpu.vector_store %arg9[%swap3A_470, %swap3A_471], %get3A_468 {strides = array<i32>} : memref<32x32xf32, #tpu.memory_space<vmem>>, vector<16xf32>,
      %get3A_473 = arith.constant 26 : i32
      %get3A_474 = arith.index_cast %get3A_473 : i32 to index
      %get3A_475 = arith.constant 0 : index
      %get3A_476 = tpu.vector_load %arg8[%get3A_474, %get3A_475] {strides = array<i32>} : memref<32x128xf32, #tpu.memory_space<vmem>>, vector<16xf32>,
      %sub3A_477 = arith.subf %get3A_476, %select_n3A_32 : vector<16xf32>
      %swap3A_478 = arith.constant 26 : i32
      %swap3A_479 = arith.index_cast %swap3A_478 : i32 to index
      %swap3A_480 = arith.constant 0 : index
      %swap3A_481 = tpu.vector_load %arg9[%swap3A_479, %swap3A_480] {strides = array<i32>} : memref<32x32xf32, #tpu.memory_space<vmem>>, vector<16xf32>,
      tpu.vector_store %arg9[%swap3A_479, %swap3A_480], %sub3A_477 {strides = array<i32>} : memref<32x32xf32, #tpu.memory_space<vmem>>, vector<16xf32>,
      %get3A_482 = arith.constant 26 : i32
      %get3A_483 = arith.index_cast %get3A_482 : i32 to index
      %get3A_484 = arith.constant 16 : index
      %get3A_485 = tpu.vector_load %arg8[%get3A_483, %get3A_484] {strides = array<i32>} : memref<32x128xf32, #tpu.memory_space<vmem>>, vector<16xf32>,
      %swap3A_486 = arith.constant 26 : i32
      %swap3A_487 = arith.index_cast %swap3A_486 : i32 to index
      %swap3A_488 = arith.constant 16 : index
      %swap3A_489 = tpu.vector_load %arg9[%swap3A_487, %swap3A_488] {strides = array<i32>} : memref<32x32xf32, #tpu.memory_space<vmem>>, vector<16xf32>,
      tpu.vector_store %arg9[%swap3A_487, %swap3A_488], %get3A_485 {strides = array<i32>} : memref<32x32xf32, #tpu.memory_space<vmem>>, vector<16xf32>,
      %get3A_490 = arith.constant 27 : i32
      %get3A_491 = arith.index_cast %get3A_490 : i32 to index
      %get3A_492 = arith.constant 0 : index
      %get3A_493 = tpu.vector_load %arg8[%get3A_491, %get3A_492] {strides = array<i32>} : memref<32x128xf32, #tpu.memory_space<vmem>>, vector<16xf32>,
      %sub3A_494 = arith.subf %get3A_493, %select_n3A_32 : vector<16xf32>
      %swap3A_495 = arith.constant 27 : i32
      %swap3A_496 = arith.index_cast %swap3A_495 : i32 to index
      %swap3A_497 = arith.constant 0 : index
      %swap3A_498 = tpu.vector_load %arg9[%swap3A_496, %swap3A_497] {strides = array<i32>} : memref<32x32xf32, #tpu.memory_space<vmem>>, vector<16xf32>,
      tpu.vector_store %arg9[%swap3A_496, %swap3A_497], %sub3A_494 {strides = array<i32>} : memref<32x32xf32, #tpu.memory_space<vmem>>, vector<16xf32>,
      %get3A_499 = arith.constant 27 : i32
      %get3A_500 = arith.index_cast %get3A_499 : i32 to index
      %get3A_501 = arith.constant 16 : index
      %get3A_502 = tpu.vector_load %arg8[%get3A_500, %get3A_501] {strides = array<i32>} : memref<32x128xf32, #tpu.memory_space<vmem>>, vector<16xf32>,
      %swap3A_503 = arith.constant 27 : i32
      %swap3A_504 = arith.index_cast %swap3A_503 : i32 to index
      %swap3A_505 = arith.constant 16 : index
      %swap3A_506 = tpu.vector_load %arg9[%swap3A_504, %swap3A_505] {strides = array<i32>} : memref<32x32xf32, #tpu.memory_space<vmem>>, vector<16xf32>,
      tpu.vector_store %arg9[%swap3A_504, %swap3A_505], %get3A_502 {strides = array<i32>} : memref<32x32xf32, #tpu.memory_space<vmem>>, vector<16xf32>,
      %get3A_507 = arith.constant 28 : i32
      %get3A_508 = arith.index_cast %get3A_507 : i32 to index
      %get3A_509 = arith.constant 0 : index
      %get3A_510 = tpu.vector_load %arg8[%get3A_508, %get3A_509] {strides = array<i32>} : memref<32x128xf32, #tpu.memory_space<vmem>>, vector<16xf32>,
      %sub3A_511 = arith.subf %get3A_510, %select_n3A_32 : vector<16xf32>
      %swap3A_512 = arith.constant 28 : i32
      %swap3A_513 = arith.index_cast %swap3A_512 : i32 to index
      %swap3A_514 = arith.constant 0 : index
      %swap3A_515 = tpu.vector_load %arg9[%swap3A_513, %swap3A_514] {strides = array<i32>} : memref<32x32xf32, #tpu.memory_space<vmem>>, vector<16xf32>,
      tpu.vector_store %arg9[%swap3A_513, %swap3A_514], %sub3A_511 {strides = array<i32>} : memref<32x32xf32, #tpu.memory_space<vmem>>, vector<16xf32>,
      %get3A_516 = arith.constant 28 : i32
      %get3A_517 = arith.index_cast %get3A_516 : i32 to index
      %get3A_518 = arith.constant 16 : index
      %get3A_519 = tpu.vector_load %arg8[%get3A_517, %get3A_518] {strides = array<i32>} : memref<32x128xf32, #tpu.memory_space<vmem>>, vector<16xf32>,
      %swap3A_520 = arith.constant 28 : i32
      %swap3A_521 = arith.index_cast %swap3A_520 : i32 to index
      %swap3A_522 = arith.constant 16 : index
      %swap3A_523 = tpu.vector_load %arg9[%swap3A_521, %swap3A_522] {strides = array<i32>} : memref<32x32xf32, #tpu.memory_space<vmem>>, vector<16xf32>,
      tpu.vector_store %arg9[%swap3A_521, %swap3A_522], %get3A_519 {strides = array<i32>} : memref<32x32xf32, #tpu.memory_space<vmem>>, vector<16xf32>,
      %get3A_524 = arith.constant 29 : i32
      %get3A_525 = arith.index_cast %get3A_524 : i32 to index
      %get3A_526 = arith.constant 0 : index
      %get3A_527 = tpu.vector_load %arg8[%get3A_525, %get3A_526] {strides = array<i32>} : memref<32x128xf32, #tpu.memory_space<vmem>>, vector<16xf32>,
      %sub3A_528 = arith.subf %get3A_527, %select_n3A_32 : vector<16xf32>
      %swap3A_529 = arith.constant 29 : i32
      %swap3A_530 = arith.index_cast %swap3A_529 : i32 to index
      %swap3A_531 = arith.constant 0 : index
      %swap3A_532 = tpu.vector_load %arg9[%swap3A_530, %swap3A_531] {strides = array<i32>} : memref<32x32xf32, #tpu.memory_space<vmem>>, vector<16xf32>,
      tpu.vector_store %arg9[%swap3A_530, %swap3A_531], %sub3A_528 {strides = array<i32>} : memref<32x32xf32, #tpu.memory_space<vmem>>, vector<16xf32>,
      %get3A_533 = arith.constant 29 : i32
      %get3A_534 = arith.index_cast %get3A_533 : i32 to index
      %get3A_535 = arith.constant 16 : index
      %get3A_536 = tpu.vector_load %arg8[%get3A_534, %get3A_535] {strides = array<i32>} : memref<32x128xf32, #tpu.memory_space<vmem>>, vector<16xf32>,
      %swap3A_537 = arith.constant 29 : i32
      %swap3A_538 = arith.index_cast %swap3A_537 : i32 to index
      %swap3A_539 = arith.constant 16 : index
      %swap3A_540 = tpu.vector_load %arg9[%swap3A_538, %swap3A_539] {strides = array<i32>} : memref<32x32xf32, #tpu.memory_space<vmem>>, vector<16xf32>,
      tpu.vector_store %arg9[%swap3A_538, %swap3A_539], %get3A_536 {strides = array<i32>} : memref<32x32xf32, #tpu.memory_space<vmem>>, vector<16xf32>,
      %get3A_541 = arith.constant 30 : i32
      %get3A_542 = arith.index_cast %get3A_541 : i32 to index
      %get3A_543 = arith.constant 0 : index
      %get3A_544 = tpu.vector_load %arg8[%get3A_542, %get3A_543] {strides = array<i32>} : memref<32x128xf32, #tpu.memory_space<vmem>>, vector<16xf32>,
      %sub3A_545 = arith.subf %get3A_544, %select_n3A_32 : vector<16xf32>
      %swap3A_546 = arith.constant 30 : i32
      %swap3A_547 = arith.index_cast %swap3A_546 : i32 to index
      %swap3A_548 = arith.constant 0 : index
      %swap3A_549 = tpu.vector_load %arg9[%swap3A_547, %swap3A_548] {strides = array<i32>} : memref<32x32xf32, #tpu.memory_space<vmem>>, vector<16xf32>,
      tpu.vector_store %arg9[%swap3A_547, %swap3A_548], %sub3A_545 {strides = array<i32>} : memref<32x32xf32, #tpu.memory_space<vmem>>, vector<16xf32>,
      %get3A_550 = arith.constant 30 : i32
      %get3A_551 = arith.index_cast %get3A_550 : i32 to index
      %get3A_552 = arith.constant 16 : index
      %get3A_553 = tpu.vector_load %arg8[%get3A_551, %get3A_552] {strides = array<i32>} : memref<32x128xf32, #tpu.memory_space<vmem>>, vector<16xf32>,
      %swap3A_554 = arith.constant 30 : i32
      %swap3A_555 = arith.index_cast %swap3A_554 : i32 to index
      %swap3A_556 = arith.constant 16 : index
      %swap3A_557 = tpu.vector_load %arg9[%swap3A_555, %swap3A_556] {strides = array<i32>} : memref<32x32xf32, #tpu.memory_space<vmem>>, vector<16xf32>,
      tpu.vector_store %arg9[%swap3A_555, %swap3A_556], %get3A_553 {strides = array<i32>} : memref<32x32xf32, #tpu.memory_space<vmem>>, vector<16xf32>,
      %get3A_558 = arith.constant 31 : i32
      %get3A_559 = arith.index_cast %get3A_558 : i32 to index
      %get3A_560 = arith.constant 0 : index
      %get3A_561 = tpu.vector_load %arg8[%get3A_559, %get3A_560] {strides = array<i32>} : memref<32x128xf32, #tpu.memory_space<vmem>>, vector<16xf32>,
      %sub3A_562 = arith.subf %get3A_561, %select_n3A_32 : vector<16xf32>
      %swap3A_563 = arith.constant 31 : i32
      %swap3A_564 = arith.index_cast %swap3A_563 : i32 to index
      %swap3A_565 = arith.constant 0 : index
      %swap3A_566 = tpu.vector_load %arg9[%swap3A_564, %swap3A_565] {strides = array<i32>} : memref<32x32xf32, #tpu.memory_space<vmem>>, vector<16xf32>,
      tpu.vector_store %arg9[%swap3A_564, %swap3A_565], %sub3A_562 {strides = array<i32>} : memref<32x32xf32, #tpu.memory_space<vmem>>, vector<16xf32>,
      %get3A_567 = arith.constant 31 : i32
      %get3A_568 = arith.index_cast %get3A_567 : i32 to index
      %get3A_569 = arith.constant 16 : index
      %get3A_570 = tpu.vector_load %arg8[%get3A_568, %get3A_569] {strides = array<i32>} : memref<32x128xf32, #tpu.memory_space<vmem>>, vector<16xf32>,
      %swap3A_571 = arith.constant 31 : i32
      %swap3A_572 = arith.index_cast %swap3A_571 : i32 to index
      %swap3A_573 = arith.constant 16 : index
      %swap3A_574 = tpu.vector_load %arg9[%swap3A_572, %swap3A_573] {strides = array<i32>} : memref<32x32xf32, #tpu.memory_space<vmem>>, vector<16xf32>,
      tpu.vector_store %arg9[%swap3A_572, %swap3A_573], %get3A_570 {strides = array<i32>} : memref<32x32xf32, #tpu.memory_space<vmem>>, vector<16xf32>,
      %mul3A_575 = arith.constant 32 : i32
      %mul3A_576 = arith.muli %add3A_9, %mul3A_575 : i32
      "tpu.region"() ({
        %run_scoped3A = tpu.sem_alloc : memref<!tpu.dma_semaphore, #tpu.memory_space<semaphore_mem>>
        %dma_start3A_577 = arith.constant 0 : i32
        %dma_start3A_578 = tpu.memref_slice %arg5[%mul3A_576, %dma_start3A_577] : memref<65536x32xf32, #tpu.memory_space<hbm>> -> memref<32x32xf32, #tpu.memory_space<hbm>>
        %dma_start3A_579 = arith.constant 0 : i32
        %dma_start3A_580 = tpu.memref_slice %arg5[%mul3A_576, %dma_start3A_579] : memref<65536x32xf32, #tpu.memory_space<hbm>> -> memref<32x32xf32, #tpu.memory_space<hbm>>
        tpu.enqueue_dma source(%arg9 : memref<32x32xf32, #tpu.memory_space<vmem>>) target(%dma_start3A_580 : memref<32x32xf32, #tpu.memory_space<hbm>>) target_semaphore(%run_scoped3A : memref<!tpu.dma_semaphore, #tpu.memory_space<semaphore_mem>>)
        %dma_wait3A_581 = arith.constant 0 : i32
        %dma_wait3A_582 = tpu.memref_slice %arg5[%mul3A_576, %dma_wait3A_581] : memref<65536x32xf32, #tpu.memory_space<hbm>> -> memref<32x32xf32, #tpu.memory_space<hbm>>
        %dma_wait3A_583 = arith.constant 0 : i32
        %dma_wait3A_584 = tpu.memref_slice %arg5[%mul3A_576, %dma_wait3A_583] : memref<65536x32xf32, #tpu.memory_space<hbm>> -> memref<32x32xf32, #tpu.memory_space<hbm>>
        tpu.wait_dma2 semaphore(%run_scoped3A : memref<!tpu.dma_semaphore, #tpu.memory_space<semaphore_mem>>) src(%arg9 : memref<32x32xf32, #tpu.memory_space<vmem>>) dst(%dma_wait3A_584 : memref<32x32xf32, #tpu.memory_space<hbm>>)
        tpu.yield
      }) : () -> ()
    }
    %scan3A_7 = arith.constant 64 : i32
    return
  }
}

module attributes {stable_mosaic.version = 14 : i64} {
  func.func @_fps_body(%arg0: memref<4x3x64x128xf32, #tpu.memory_space<vmem>>, %arg1: memref<4x4x512xf32, #tpu.memory_space<vmem>>, %arg2: memref<4x64x128xf32, #tpu.memory_space<vmem>>) attributes {dimension_semantics = [], scalar_prefetch = 0 : i64, scratch_operands = 0 : i64, tpu.core_type = #tpu.core_type<tc>} {
    %get3A = arith.constant 0 : index
    %get3A_0 = arith.constant 0 : index
    %get3A_1 = arith.constant 0 : index
    %get3A_2 = arith.constant 0 : index
    %get3A_3 = vector.load %arg0[%get3A, %get3A_0, %get3A_1, %get3A_2] : memref<4x3x64x128xf32, #tpu.memory_space<vmem>>, vector<4x1x64x128xf32>
    %get3A_4 = vector.shape_cast %get3A_3 : vector<4x1x64x128xf32> to vector<4x64x128xf32>
    %get3A_5 = arith.constant 0 : index
    %get3A_6 = arith.constant 1 : index
    %get3A_7 = arith.constant 0 : index
    %get3A_8 = arith.constant 0 : index
    %get3A_9 = vector.load %arg0[%get3A_5, %get3A_6, %get3A_7, %get3A_8] : memref<4x3x64x128xf32, #tpu.memory_space<vmem>>, vector<4x1x64x128xf32>
    %get3A_10 = vector.shape_cast %get3A_9 : vector<4x1x64x128xf32> to vector<4x64x128xf32>
    %get3A_11 = arith.constant 0 : index
    %get3A_12 = arith.constant 2 : index
    %get3A_13 = arith.constant 0 : index
    %get3A_14 = arith.constant 0 : index
    %get3A_15 = vector.load %arg0[%get3A_11, %get3A_12, %get3A_13, %get3A_14] : memref<4x3x64x128xf32, #tpu.memory_space<vmem>>, vector<4x1x64x128xf32>
    %get3A_16 = vector.shape_cast %get3A_15 : vector<4x1x64x128xf32> to vector<4x64x128xf32>
    %mul3A = arith.mulf %get3A_4, %get3A_4 : vector<4x64x128xf32>
    %mul3A_17 = arith.mulf %get3A_10, %get3A_10 : vector<4x64x128xf32>
    %add3A = arith.addf %mul3A, %mul3A_17 : vector<4x64x128xf32>
    %mul3A_18 = arith.mulf %get3A_16, %get3A_16 : vector<4x64x128xf32>
    %add3A_19 = arith.addf %add3A, %mul3A_18 : vector<4x64x128xf32>
    %swap3A = arith.constant 0 : index
    %swap3A_20 = arith.constant 0 : index
    %swap3A_21 = arith.constant 0 : index
    %swap3A_22 = vector.load %arg2[%swap3A, %swap3A_20, %swap3A_21] : memref<4x64x128xf32, #tpu.memory_space<vmem>>, vector<4x64x128xf32>
    tpu.vector_store %arg2[%swap3A, %swap3A_20, %swap3A_21], %add3A_19 {strides = array<i32>} : memref<4x64x128xf32, #tpu.memory_space<vmem>>, vector<4x64x128xf32>,
    %iota3A = tpu.iota {dimensions = array<i32: 1>} : vector<4x64x128xi32>
    %mul3A_23 = arith.constant 128 : i32
    %mul3A_24 = vector.broadcast %mul3A_23 : i32 to vector<4x64x128xi32>
    %mul3A_25 = arith.muli %iota3A, %mul3A_24 : vector<4x64x128xi32>
    %iota3A_26 = tpu.iota {dimensions = array<i32: 2>} : vector<4x64x128xi32>
    %add3A_27 = arith.addi %mul3A_25, %iota3A_26 : vector<4x64x128xi32>
    %iota3A_28 = tpu.iota {dimensions = array<i32: 2>} : vector<1x1x512xi32>
    %broadcast_in_dim3A = arith.constant 1.000000e+10 : f32
    %broadcast_in_dim3A_29 = vector.broadcast %broadcast_in_dim3A : f32 to vector<4x64x128xf32>
    %broadcast_in_dim3A_30 = arith.constant 0 : i32
    %broadcast_in_dim3A_31 = vector.broadcast %broadcast_in_dim3A_30 : i32 to vector<4x1x1xi32>
    %scan3A = arith.constant 0 : i32
    %scan3A_32 = arith.constant 512 : i32
    %scan3A_33 = arith.addi %scan3A, %scan3A_32 : i32
    %scan3A_34 = arith.constant 1 : i32
    %scan3A_35:2 = scf.for %scan3A_37 = %scan3A to %scan3A_33 step %scan3A_34 iter_args(%scan3A_38 = %broadcast_in_dim3A_29, %scan3A_39 = %broadcast_in_dim3A_31) -> (vector<4x64x128xf32>, vector<4x1x1xi32>)  : i32 {
      %get3A_40 = arith.constant 0 : index
      %get3A_41 = arith.constant 0 : index
      %get3A_42 = arith.constant 0 : index
      %get3A_43 = arith.constant 0 : index
      %get3A_44 = vector.load %arg0[%get3A_40, %get3A_41, %get3A_42, %get3A_43] : memref<4x3x64x128xf32, #tpu.memory_space<vmem>>, vector<4x1x64x128xf32>
      %get3A_45 = vector.shape_cast %get3A_44 : vector<4x1x64x128xf32> to vector<4x64x128xf32>
      %get3A_46 = arith.constant 0 : index
      %get3A_47 = arith.constant 1 : index
      %get3A_48 = arith.constant 0 : index
      %get3A_49 = arith.constant 0 : index
      %get3A_50 = vector.load %arg0[%get3A_46, %get3A_47, %get3A_48, %get3A_49] : memref<4x3x64x128xf32, #tpu.memory_space<vmem>>, vector<4x1x64x128xf32>
      %get3A_51 = vector.shape_cast %get3A_50 : vector<4x1x64x128xf32> to vector<4x64x128xf32>
      %get3A_52 = arith.constant 0 : index
      %get3A_53 = arith.constant 2 : index
      %get3A_54 = arith.constant 0 : index
      %get3A_55 = arith.constant 0 : index
      %get3A_56 = vector.load %arg0[%get3A_52, %get3A_53, %get3A_54, %get3A_55] : memref<4x3x64x128xf32, #tpu.memory_space<vmem>>, vector<4x1x64x128xf32>
      %get3A_57 = vector.shape_cast %get3A_56 : vector<4x1x64x128xf32> to vector<4x64x128xf32>
      %eq3A = vector.broadcast %scan3A_39 : vector<4x1x1xi32> to vector<4x64x128xi32>
      %eq3A_58 = arith.cmpi eq, %add3A_27, %eq3A : vector<4x64x128xi32>
      %jit3A = arith.constant 0.000000e+00 : f32
      %broadcast_in_dim3A_59 = vector.broadcast %jit3A : f32 to vector<4x64x128xf32>
      %select_n3A = arith.select %eq3A_58, %get3A_45, %broadcast_in_dim3A_59 : vector<4x64x128xi1>, vector<4x64x128xf32>
      %reduce_sum3A = arith.constant dense<0.000000e+00> : vector<4x64xf32>
      %reduce_sum3A_60 = vector.multi_reduction <add>, %select_n3A, %reduce_sum3A [2] : vector<4x64x128xf32> to vector<4x64xf32>
      %broadcast_in_dim3A_61 = vector.shape_cast %reduce_sum3A_60 : vector<4x64xf32> to vector<4x64x1xf32>
      %reduce_sum3A_62 = arith.constant dense<0.000000e+00> : vector<4x1xf32>
      %reduce_sum3A_63 = vector.multi_reduction <add>, %broadcast_in_dim3A_61, %reduce_sum3A_62 [1] : vector<4x64x1xf32> to vector<4x1xf32>
      %broadcast_in_dim3A_64 = vector.shape_cast %reduce_sum3A_63 : vector<4x1xf32> to vector<4x1x1xf32>
      %jit3A_65 = arith.constant 0.000000e+00 : f32
      %broadcast_in_dim3A_66 = vector.broadcast %jit3A_65 : f32 to vector<4x64x128xf32>
      %select_n3A_67 = arith.select %eq3A_58, %get3A_51, %broadcast_in_dim3A_66 : vector<4x64x128xi1>, vector<4x64x128xf32>
      %reduce_sum3A_68 = arith.constant dense<0.000000e+00> : vector<4x64xf32>
      %reduce_sum3A_69 = vector.multi_reduction <add>, %select_n3A_67, %reduce_sum3A_68 [2] : vector<4x64x128xf32> to vector<4x64xf32>
      %broadcast_in_dim3A_70 = vector.shape_cast %reduce_sum3A_69 : vector<4x64xf32> to vector<4x64x1xf32>
      %reduce_sum3A_71 = arith.constant dense<0.000000e+00> : vector<4x1xf32>
      %reduce_sum3A_72 = vector.multi_reduction <add>, %broadcast_in_dim3A_70, %reduce_sum3A_71 [1] : vector<4x64x1xf32> to vector<4x1xf32>
      %broadcast_in_dim3A_73 = vector.shape_cast %reduce_sum3A_72 : vector<4x1xf32> to vector<4x1x1xf32>
      %jit3A_74 = arith.constant 0.000000e+00 : f32
      %broadcast_in_dim3A_75 = vector.broadcast %jit3A_74 : f32 to vector<4x64x128xf32>
      %select_n3A_76 = arith.select %eq3A_58, %get3A_57, %broadcast_in_dim3A_75 : vector<4x64x128xi1>, vector<4x64x128xf32>
      %reduce_sum3A_77 = arith.constant dense<0.000000e+00> : vector<4x64xf32>
      %reduce_sum3A_78 = vector.multi_reduction <add>, %select_n3A_76, %reduce_sum3A_77 [2] : vector<4x64x128xf32> to vector<4x64xf32>
      %broadcast_in_dim3A_79 = vector.shape_cast %reduce_sum3A_78 : vector<4x64xf32> to vector<4x64x1xf32>
      %reduce_sum3A_80 = arith.constant dense<0.000000e+00> : vector<4x1xf32>
      %reduce_sum3A_81 = vector.multi_reduction <add>, %broadcast_in_dim3A_79, %reduce_sum3A_80 [1] : vector<4x64x1xf32> to vector<4x1xf32>
      %broadcast_in_dim3A_82 = vector.shape_cast %reduce_sum3A_81 : vector<4x1xf32> to vector<4x1x1xf32>
      %mul3A_83 = arith.mulf %broadcast_in_dim3A_64, %broadcast_in_dim3A_64 : vector<4x1x1xf32>
      %mul3A_84 = arith.mulf %broadcast_in_dim3A_73, %broadcast_in_dim3A_73 : vector<4x1x1xf32>
      %add3A_85 = arith.addf %mul3A_83, %mul3A_84 : vector<4x1x1xf32>
      %mul3A_86 = arith.mulf %broadcast_in_dim3A_82, %broadcast_in_dim3A_82 : vector<4x1x1xf32>
      %add3A_87 = arith.addf %add3A_85, %mul3A_86 : vector<4x1x1xf32>
      %concatenate3A = tpu.concatenate %broadcast_in_dim3A_64, %broadcast_in_dim3A_73, %broadcast_in_dim3A_82, %add3A_87 in 1 : vector<4x1x1xf32>, vector<4x1x1xf32>, vector<4x1x1xf32>, vector<4x1x1xf32> -> vector<4x4x1xf32>
      %eq3A_88 = vector.broadcast %scan3A_37 : i32 to vector<1x1x512xi32>
      %eq3A_89 = arith.cmpi eq, %iota3A_28, %eq3A_88 : vector<1x1x512xi32>
      %get3A_90 = arith.constant 0 : index
      %get3A_91 = arith.constant 0 : index
      %get3A_92 = arith.constant 0 : index
      %get3A_93 = vector.load %arg1[%get3A_90, %get3A_91, %get3A_92] : memref<4x4x512xf32, #tpu.memory_space<vmem>>, vector<4x4x512xf32>
      %broadcast_in_dim3A_94 = vector.shape_cast %eq3A_89 : vector<1x1x512xi1> to vector<1x1x512xi1>
      %broadcast_in_dim3A_95 = vector.broadcast %broadcast_in_dim3A_94 : vector<1x1x512xi1> to vector<4x4x512xi1>
      %broadcast_in_dim3A_96 = vector.shape_cast %concatenate3A : vector<4x4x1xf32> to vector<4x4x1xf32>
      %broadcast_in_dim3A_97 = vector.broadcast %broadcast_in_dim3A_96 : vector<4x4x1xf32> to vector<4x4x512xf32>
      %select_n3A_98 = arith.select %broadcast_in_dim3A_95, %broadcast_in_dim3A_97, %get3A_93 : vector<4x4x512xi1>, vector<4x4x512xf32>
      %swap3A_99 = arith.constant 0 : index
      %swap3A_100 = arith.constant 0 : index
      %swap3A_101 = arith.constant 0 : index
      %swap3A_102 = vector.load %arg1[%swap3A_99, %swap3A_100, %swap3A_101] : memref<4x4x512xf32, #tpu.memory_space<vmem>>, vector<4x4x512xf32>
      tpu.vector_store %arg1[%swap3A_99, %swap3A_100, %swap3A_101], %select_n3A_98 {strides = array<i32>} : memref<4x4x512xf32, #tpu.memory_space<vmem>>, vector<4x4x512xf32>,
      %sub3A = vector.broadcast %broadcast_in_dim3A_64 : vector<4x1x1xf32> to vector<4x64x128xf32>
      %sub3A_103 = arith.subf %get3A_45, %sub3A : vector<4x64x128xf32>
      %sub3A_104 = vector.broadcast %broadcast_in_dim3A_73 : vector<4x1x1xf32> to vector<4x64x128xf32>
      %sub3A_105 = arith.subf %get3A_51, %sub3A_104 : vector<4x64x128xf32>
      %sub3A_106 = vector.broadcast %broadcast_in_dim3A_82 : vector<4x1x1xf32> to vector<4x64x128xf32>
      %sub3A_107 = arith.subf %get3A_57, %sub3A_106 : vector<4x64x128xf32>
      %mul3A_108 = arith.mulf %sub3A_103, %sub3A_103 : vector<4x64x128xf32>
      %mul3A_109 = arith.mulf %sub3A_105, %sub3A_105 : vector<4x64x128xf32>
      %add3A_110 = arith.addf %mul3A_108, %mul3A_109 : vector<4x64x128xf32>
      %mul3A_111 = arith.mulf %sub3A_107, %sub3A_107 : vector<4x64x128xf32>
      %add3A_112 = arith.addf %add3A_110, %mul3A_111 : vector<4x64x128xf32>
      %min3A = arith.minimumf %scan3A_38, %add3A_112 : vector<4x64x128xf32>
      %reduce_max3A = arith.constant dense<0xFF800000> : vector<4x64xf32>
      %reduce_max3A_113 = vector.multi_reduction <maximumf>, %min3A, %reduce_max3A [2] : vector<4x64x128xf32> to vector<4x64xf32>
      %broadcast_in_dim3A_114 = vector.shape_cast %reduce_max3A_113 : vector<4x64xf32> to vector<4x64x1xf32>
      %reduce_max3A_115 = arith.constant dense<0xFF800000> : vector<4x1xf32>
      %reduce_max3A_116 = vector.multi_reduction <maximumf>, %broadcast_in_dim3A_114, %reduce_max3A_115 [1] : vector<4x64x1xf32> to vector<4x1xf32>
      %broadcast_in_dim3A_117 = vector.shape_cast %reduce_max3A_116 : vector<4x1xf32> to vector<4x1x1xf32>
      %eq3A_118 = vector.broadcast %broadcast_in_dim3A_117 : vector<4x1x1xf32> to vector<4x64x128xf32>
      %eq3A_119 = arith.cmpf oeq, %min3A, %eq3A_118 : vector<4x64x128xf32>
      %jit3A_120 = arith.constant 1073741824 : i32
      %broadcast_in_dim3A_121 = vector.broadcast %jit3A_120 : i32 to vector<4x64x128xi32>
      %select_n3A_122 = arith.select %eq3A_119, %add3A_27, %broadcast_in_dim3A_121 : vector<4x64x128xi1>, vector<4x64x128xi32>
      %reduce_min3A = arith.constant dense<2147483647> : vector<4x64xi32>
      %reduce_min3A_123 = vector.multi_reduction <minsi>, %select_n3A_122, %reduce_min3A [2] : vector<4x64x128xi32> to vector<4x64xi32>
      %broadcast_in_dim3A_124 = vector.shape_cast %reduce_min3A_123 : vector<4x64xi32> to vector<4x64x1xi32>
      %reduce_min3A_125 = arith.constant dense<2147483647> : vector<4x1xi32>
      %reduce_min3A_126 = vector.multi_reduction <minsi>, %broadcast_in_dim3A_124, %reduce_min3A_125 [1] : vector<4x64x1xi32> to vector<4x1xi32>
      %broadcast_in_dim3A_127 = vector.shape_cast %reduce_min3A_126 : vector<4x1xi32> to vector<4x1x1xi32>
      scf.yield %min3A, %broadcast_in_dim3A_127 : vector<4x64x128xf32>, vector<4x1x1xi32>
    }
    %scan3A_36 = arith.constant 512 : i32
    return
  }
}

module attributes {stable_mosaic.version = 14 : i64} {
  func.func @_lin_body(%arg0: i32, %arg1: memref<4096x32xf32, #tpu.memory_space<vmem>>, %arg2: memref<32x32xf32, #tpu.memory_space<vmem>>, %arg3: memref<8x128xf32, #tpu.memory_space<vmem>>, %arg4: memref<4096x32xf32, #tpu.memory_space<vmem>>, %arg5: memref<8x128xf32, #tpu.memory_space<vmem>>) attributes {dimension_semantics = [#tpu.dimension_semantics<arbitrary>], iteration_bounds = array<i64: 16>, scalar_prefetch = 0 : i64, scratch_operands = 0 : i64, tpu.core_type = #tpu.core_type<tc>, window_params = [{transform_indices = @transform_0, window_bounds = array<i64: 4096, 32>}, {pipeline_mode = #tpu.pipeline_mode<synchronous>, transform_indices = @transform_1, window_bounds = array<i64: 32, 32>}, {pipeline_mode = #tpu.pipeline_mode<synchronous>, transform_indices = @transform_2, window_bounds = array<i64: 8, 128>}, {transform_indices = @transform_3, window_bounds = array<i64: 4096, 32>}, {pipeline_mode = #tpu.pipeline_mode<synchronous>, transform_indices = @transform_4, window_bounds = array<i64: 8, 128>}]} {
    %get3A = arith.constant 0 : index
    %get3A_0 = arith.constant 0 : index
    %get3A_1 = vector.load %arg1[%get3A, %get3A_0] : memref<4096x32xf32, #tpu.memory_space<vmem>>, vector<4096x32xf32>
    %get3A_2 = arith.constant 0 : index
    %get3A_3 = arith.constant 0 : index
    %get3A_4 = vector.load %arg2[%get3A_2, %get3A_3] : memref<32x32xf32, #tpu.memory_space<vmem>>, vector<32x32xf32>
    %convert_element_type3A = arith.truncf %get3A_4 : vector<32x32xf32> to vector<32x32xbf16>
    %convert_element_type3A_5 = arith.truncf %get3A_1 : vector<4096x32xf32> to vector<4096x32xbf16>
    %dot_general3A = arith.constant dense<0.000000e+00> : vector<4096x32xf32>
    %dot_general3A_6 = tpu.matmul %convert_element_type3A_5, %convert_element_type3A, %dot_general3A {dimension_numbers = #tpu.dot_dimension_numbers<[1], [0], [0], [1], [0, 0, 1, 1], [], []>, transpose_lhs_hint = false} : vector<4096x32xbf16>, vector<32x32xbf16>, vector<4096x32xf32> -> vector<4096x32xf32>
    %get3A_7 = arith.constant 0 : index
    %get3A_8 = arith.constant 0 : index
    %get3A_9 = vector.load %arg3[%get3A_7, %get3A_8] : memref<8x128xf32, #tpu.memory_space<vmem>>, vector<1x32xf32>
    %add3A = vector.broadcast %get3A_9 : vector<1x32xf32> to vector<4096x32xf32>
    %add3A_10 = arith.addf %dot_general3A_6, %add3A : vector<4096x32xf32>
    %swap3A = arith.constant 0 : index
    %swap3A_11 = arith.constant 0 : index
    %swap3A_12 = vector.load %arg4[%swap3A, %swap3A_11] : memref<4096x32xf32, #tpu.memory_space<vmem>>, vector<4096x32xf32>
    tpu.vector_store %arg4[%swap3A, %swap3A_11], %add3A_10 {strides = array<i32>} : memref<4096x32xf32, #tpu.memory_space<vmem>>, vector<4096x32xf32>,
    %eq3A = arith.constant 0 : i32
    %eq3A_13 = arith.cmpi eq, %arg0, %eq3A : i32
    %convert_element_type3A_14 = arith.extui %eq3A_13 : i1 to i32
    %cond3A = arith.constant 0 : i32
    %cond3A_15 = arith.cmpi ne, %convert_element_type3A_14, %cond3A : i32
    scf.if %cond3A_15 {
      %broadcast_in_dim3A_34 = arith.constant 0.000000e+00 : f32
      %broadcast_in_dim3A_35 = vector.broadcast %broadcast_in_dim3A_34 : f32 to vector<8x128xf32>
      %swap3A_36 = arith.constant 0 : index
      %swap3A_37 = arith.constant 0 : index
      %swap3A_38 = vector.load %arg5[%swap3A_36, %swap3A_37] : memref<8x128xf32, #tpu.memory_space<vmem>>, vector<8x128xf32>
      tpu.vector_store %arg5[%swap3A_36, %swap3A_37], %broadcast_in_dim3A_35 {strides = array<i32>} : memref<8x128xf32, #tpu.memory_space<vmem>>, vector<8x128xf32>,
    } else {
    }
    %get3A_16 = arith.constant 0 : index
    %get3A_17 = arith.constant 0 : index
    %get3A_18 = vector.load %arg5[%get3A_16, %get3A_17] : memref<8x128xf32, #tpu.memory_space<vmem>>, vector<1x32xf32>
    %reduce_sum3A = arith.constant dense<0.000000e+00> : vector<32xf32>
    %reduce_sum3A_19 = vector.multi_reduction <add>, %add3A_10, %reduce_sum3A [0] : vector<4096x32xf32> to vector<32xf32>
    %broadcast_in_dim3A = vector.shape_cast %reduce_sum3A_19 : vector<32xf32> to vector<1x32xf32>
    %add3A_20 = arith.addf %get3A_18, %broadcast_in_dim3A : vector<1x32xf32>
    %swap3A_21 = arith.constant 0 : index
    %swap3A_22 = arith.constant 0 : index
    %swap3A_23 = vector.load %arg5[%swap3A_21, %swap3A_22] : memref<8x128xf32, #tpu.memory_space<vmem>>, vector<1x32xf32>
    tpu.vector_store %arg5[%swap3A_21, %swap3A_22], %add3A_20 {strides = array<i32>} : memref<8x128xf32, #tpu.memory_space<vmem>>, vector<1x32xf32>,
    %get3A_24 = arith.constant 1 : index
    %get3A_25 = arith.constant 0 : index
    %get3A_26 = vector.load %arg5[%get3A_24, %get3A_25] : memref<8x128xf32, #tpu.memory_space<vmem>>, vector<1x32xf32>
    %mul3A = arith.mulf %add3A_10, %add3A_10 : vector<4096x32xf32>
    %reduce_sum3A_27 = arith.constant dense<0.000000e+00> : vector<32xf32>
    %reduce_sum3A_28 = vector.multi_reduction <add>, %mul3A, %reduce_sum3A_27 [0] : vector<4096x32xf32> to vector<32xf32>
    %broadcast_in_dim3A_29 = vector.shape_cast %reduce_sum3A_28 : vector<32xf32> to vector<1x32xf32>
    %add3A_30 = arith.addf %get3A_26, %broadcast_in_dim3A_29 : vector<1x32xf32>
    %swap3A_31 = arith.constant 1 : index
    %swap3A_32 = arith.constant 0 : index
    %swap3A_33 = vector.load %arg5[%swap3A_31, %swap3A_32] : memref<8x128xf32, #tpu.memory_space<vmem>>, vector<1x32xf32>
    tpu.vector_store %arg5[%swap3A_31, %swap3A_32], %add3A_30 {strides = array<i32>} : memref<8x128xf32, #tpu.memory_space<vmem>>, vector<1x32xf32>,
    return
  }
  func.func @transform_0(%arg0: i32) -> (i32, i32) {
    %c0_i32 = arith.constant 0 : i32
    %c0_i32_0 = arith.constant 0 : i32
    return %arg0, %c0_i32 : i32, i32
  }
  func.func @transform_1(%arg0: i32) -> (i32, i32) {
    %c0_i32 = arith.constant 0 : i32
    %c0_i32_0 = arith.constant 0 : i32
    %c0_i32_1 = arith.constant 0 : i32
    return %c0_i32, %c0_i32_0 : i32, i32
  }
  func.func @transform_2(%arg0: i32) -> (i32, i32) {
    %c0_i32 = arith.constant 0 : i32
    %c0_i32_0 = arith.constant 0 : i32
    %c0_i32_1 = arith.constant 0 : i32
    return %c0_i32, %c0_i32_0 : i32, i32
  }
  func.func @transform_3(%arg0: i32) -> (i32, i32) {
    %c0_i32 = arith.constant 0 : i32
    %c0_i32_0 = arith.constant 0 : i32
    return %arg0, %c0_i32 : i32, i32
  }
  func.func @transform_4(%arg0: i32) -> (i32, i32) {
    %c0_i32 = arith.constant 0 : i32
    %c0_i32_0 = arith.constant 0 : i32
    %c0_i32_1 = arith.constant 0 : i32
    return %c0_i32, %c0_i32_0 : i32, i32
  }
}

module attributes {stable_mosaic.version = 14 : i64} {
  func.func @_act_lin_body(%arg0: i32, %arg1: memref<4096x32xf32, #tpu.memory_space<vmem>>, %arg2: memref<32x32xf32, #tpu.memory_space<vmem>>, %arg3: memref<8x128xf32, #tpu.memory_space<vmem>>, %arg4: memref<4096x32xf32, #tpu.memory_space<vmem>>, %arg5: memref<8x128xf32, #tpu.memory_space<vmem>>) attributes {dimension_semantics = [#tpu.dimension_semantics<arbitrary>], iteration_bounds = array<i64: 16>, scalar_prefetch = 0 : i64, scratch_operands = 0 : i64, tpu.core_type = #tpu.core_type<tc>, window_params = [{transform_indices = @transform_0, window_bounds = array<i64: 4096, 32>}, {pipeline_mode = #tpu.pipeline_mode<synchronous>, transform_indices = @transform_1, window_bounds = array<i64: 32, 32>}, {pipeline_mode = #tpu.pipeline_mode<synchronous>, transform_indices = @transform_2, window_bounds = array<i64: 8, 128>}, {transform_indices = @transform_3, window_bounds = array<i64: 4096, 32>}, {pipeline_mode = #tpu.pipeline_mode<synchronous>, transform_indices = @transform_4, window_bounds = array<i64: 8, 128>}]} {
    %get3A = arith.constant 0 : index
    %get3A_0 = arith.constant 0 : index
    %get3A_1 = vector.load %arg1[%get3A, %get3A_0] : memref<4096x32xf32, #tpu.memory_space<vmem>>, vector<4096x32xf32>
    %get3A_2 = arith.constant 1 : index
    %get3A_3 = arith.constant 0 : index
    %get3A_4 = vector.load %arg3[%get3A_2, %get3A_3] : memref<8x128xf32, #tpu.memory_space<vmem>>, vector<1x32xf32>
    %mul3A = vector.broadcast %get3A_4 : vector<1x32xf32> to vector<4096x32xf32>
    %mul3A_5 = arith.mulf %get3A_1, %mul3A : vector<4096x32xf32>
    %get3A_6 = arith.constant 2 : index
    %get3A_7 = arith.constant 0 : index
    %get3A_8 = vector.load %arg3[%get3A_6, %get3A_7] : memref<8x128xf32, #tpu.memory_space<vmem>>, vector<1x32xf32>
    %add3A = vector.broadcast %get3A_8 : vector<1x32xf32> to vector<4096x32xf32>
    %add3A_9 = arith.addf %mul3A_5, %add3A : vector<4096x32xf32>
    %max3A = arith.constant 0.000000e+00 : f32
    %max3A_10 = vector.broadcast %max3A : f32 to vector<4096x32xf32>
    %max3A_11 = arith.maximumf %add3A_9, %max3A_10 : vector<4096x32xf32>
    %get3A_12 = arith.constant 0 : index
    %get3A_13 = arith.constant 0 : index
    %get3A_14 = vector.load %arg2[%get3A_12, %get3A_13] : memref<32x32xf32, #tpu.memory_space<vmem>>, vector<32x32xf32>
    %convert_element_type3A = arith.truncf %get3A_14 : vector<32x32xf32> to vector<32x32xbf16>
    %convert_element_type3A_15 = arith.truncf %max3A_11 : vector<4096x32xf32> to vector<4096x32xbf16>
    %dot_general3A = arith.constant dense<0.000000e+00> : vector<4096x32xf32>
    %dot_general3A_16 = tpu.matmul %convert_element_type3A_15, %convert_element_type3A, %dot_general3A {dimension_numbers = #tpu.dot_dimension_numbers<[1], [0], [0], [1], [0, 0, 1, 1], [], []>, transpose_lhs_hint = false} : vector<4096x32xbf16>, vector<32x32xbf16>, vector<4096x32xf32> -> vector<4096x32xf32>
    %get3A_17 = arith.constant 0 : index
    %get3A_18 = arith.constant 0 : index
    %get3A_19 = vector.load %arg3[%get3A_17, %get3A_18] : memref<8x128xf32, #tpu.memory_space<vmem>>, vector<1x32xf32>
    %add3A_20 = vector.broadcast %get3A_19 : vector<1x32xf32> to vector<4096x32xf32>
    %add3A_21 = arith.addf %dot_general3A_16, %add3A_20 : vector<4096x32xf32>
    %swap3A = arith.constant 0 : index
    %swap3A_22 = arith.constant 0 : index
    %swap3A_23 = vector.load %arg4[%swap3A, %swap3A_22] : memref<4096x32xf32, #tpu.memory_space<vmem>>, vector<4096x32xf32>
    tpu.vector_store %arg4[%swap3A, %swap3A_22], %add3A_21 {strides = array<i32>} : memref<4096x32xf32, #tpu.memory_space<vmem>>, vector<4096x32xf32>,
    %eq3A = arith.constant 0 : i32
    %eq3A_24 = arith.cmpi eq, %arg0, %eq3A : i32
    %convert_element_type3A_25 = arith.extui %eq3A_24 : i1 to i32
    %cond3A = arith.constant 0 : i32
    %cond3A_26 = arith.cmpi ne, %convert_element_type3A_25, %cond3A : i32
    scf.if %cond3A_26 {
      %broadcast_in_dim3A_46 = arith.constant 0.000000e+00 : f32
      %broadcast_in_dim3A_47 = vector.broadcast %broadcast_in_dim3A_46 : f32 to vector<8x128xf32>
      %swap3A_48 = arith.constant 0 : index
      %swap3A_49 = arith.constant 0 : index
      %swap3A_50 = vector.load %arg5[%swap3A_48, %swap3A_49] : memref<8x128xf32, #tpu.memory_space<vmem>>, vector<8x128xf32>
      tpu.vector_store %arg5[%swap3A_48, %swap3A_49], %broadcast_in_dim3A_47 {strides = array<i32>} : memref<8x128xf32, #tpu.memory_space<vmem>>, vector<8x128xf32>,
    } else {
    }
    %get3A_27 = arith.constant 0 : index
    %get3A_28 = arith.constant 0 : index
    %get3A_29 = vector.load %arg5[%get3A_27, %get3A_28] : memref<8x128xf32, #tpu.memory_space<vmem>>, vector<1x32xf32>
    %reduce_sum3A = arith.constant dense<0.000000e+00> : vector<32xf32>
    %reduce_sum3A_30 = vector.multi_reduction <add>, %add3A_21, %reduce_sum3A [0] : vector<4096x32xf32> to vector<32xf32>
    %broadcast_in_dim3A = vector.shape_cast %reduce_sum3A_30 : vector<32xf32> to vector<1x32xf32>
    %add3A_31 = arith.addf %get3A_29, %broadcast_in_dim3A : vector<1x32xf32>
    %swap3A_32 = arith.constant 0 : index
    %swap3A_33 = arith.constant 0 : index
    %swap3A_34 = vector.load %arg5[%swap3A_32, %swap3A_33] : memref<8x128xf32, #tpu.memory_space<vmem>>, vector<1x32xf32>
    tpu.vector_store %arg5[%swap3A_32, %swap3A_33], %add3A_31 {strides = array<i32>} : memref<8x128xf32, #tpu.memory_space<vmem>>, vector<1x32xf32>,
    %get3A_35 = arith.constant 1 : index
    %get3A_36 = arith.constant 0 : index
    %get3A_37 = vector.load %arg5[%get3A_35, %get3A_36] : memref<8x128xf32, #tpu.memory_space<vmem>>, vector<1x32xf32>
    %mul3A_38 = arith.mulf %add3A_21, %add3A_21 : vector<4096x32xf32>
    %reduce_sum3A_39 = arith.constant dense<0.000000e+00> : vector<32xf32>
    %reduce_sum3A_40 = vector.multi_reduction <add>, %mul3A_38, %reduce_sum3A_39 [0] : vector<4096x32xf32> to vector<32xf32>
    %broadcast_in_dim3A_41 = vector.shape_cast %reduce_sum3A_40 : vector<32xf32> to vector<1x32xf32>
    %add3A_42 = arith.addf %get3A_37, %broadcast_in_dim3A_41 : vector<1x32xf32>
    %swap3A_43 = arith.constant 1 : index
    %swap3A_44 = arith.constant 0 : index
    %swap3A_45 = vector.load %arg5[%swap3A_43, %swap3A_44] : memref<8x128xf32, #tpu.memory_space<vmem>>, vector<1x32xf32>
    tpu.vector_store %arg5[%swap3A_43, %swap3A_44], %add3A_42 {strides = array<i32>} : memref<8x128xf32, #tpu.memory_space<vmem>>, vector<1x32xf32>,
    return
  }
  func.func @transform_0(%arg0: i32) -> (i32, i32) {
    %c0_i32 = arith.constant 0 : i32
    %c0_i32_0 = arith.constant 0 : i32
    return %arg0, %c0_i32 : i32, i32
  }
  func.func @transform_1(%arg0: i32) -> (i32, i32) {
    %c0_i32 = arith.constant 0 : i32
    %c0_i32_0 = arith.constant 0 : i32
    %c0_i32_1 = arith.constant 0 : i32
    return %c0_i32, %c0_i32_0 : i32, i32
  }
  func.func @transform_2(%arg0: i32) -> (i32, i32) {
    %c0_i32 = arith.constant 0 : i32
    %c0_i32_0 = arith.constant 0 : i32
    %c0_i32_1 = arith.constant 0 : i32
    return %c0_i32, %c0_i32_0 : i32, i32
  }
  func.func @transform_3(%arg0: i32) -> (i32, i32) {
    %c0_i32 = arith.constant 0 : i32
    %c0_i32_0 = arith.constant 0 : i32
    return %arg0, %c0_i32 : i32, i32
  }
  func.func @transform_4(%arg0: i32) -> (i32, i32) {
    %c0_i32 = arith.constant 0 : i32
    %c0_i32_0 = arith.constant 0 : i32
    %c0_i32_1 = arith.constant 0 : i32
    return %c0_i32, %c0_i32_0 : i32, i32
  }
}

module attributes {stable_mosaic.version = 14 : i64} {
  func.func @_act_lin_body(%arg0: i32, %arg1: memref<4096x32xf32, #tpu.memory_space<vmem>>, %arg2: memref<32x64xf32, #tpu.memory_space<vmem>>, %arg3: memref<8x128xf32, #tpu.memory_space<vmem>>, %arg4: memref<4096x64xf32, #tpu.memory_space<vmem>>, %arg5: memref<8x128xf32, #tpu.memory_space<vmem>>) attributes {dimension_semantics = [#tpu.dimension_semantics<arbitrary>], iteration_bounds = array<i64: 16>, scalar_prefetch = 0 : i64, scratch_operands = 0 : i64, tpu.core_type = #tpu.core_type<tc>, window_params = [{transform_indices = @transform_0, window_bounds = array<i64: 4096, 32>}, {pipeline_mode = #tpu.pipeline_mode<synchronous>, transform_indices = @transform_1, window_bounds = array<i64: 32, 64>}, {pipeline_mode = #tpu.pipeline_mode<synchronous>, transform_indices = @transform_2, window_bounds = array<i64: 8, 128>}, {transform_indices = @transform_3, window_bounds = array<i64: 4096, 64>}, {pipeline_mode = #tpu.pipeline_mode<synchronous>, transform_indices = @transform_4, window_bounds = array<i64: 8, 128>}]} {
    %get3A = arith.constant 0 : index
    %get3A_0 = arith.constant 0 : index
    %get3A_1 = vector.load %arg1[%get3A, %get3A_0] : memref<4096x32xf32, #tpu.memory_space<vmem>>, vector<4096x32xf32>
    %get3A_2 = arith.constant 1 : index
    %get3A_3 = arith.constant 0 : index
    %get3A_4 = vector.load %arg3[%get3A_2, %get3A_3] : memref<8x128xf32, #tpu.memory_space<vmem>>, vector<1x32xf32>
    %mul3A = vector.broadcast %get3A_4 : vector<1x32xf32> to vector<4096x32xf32>
    %mul3A_5 = arith.mulf %get3A_1, %mul3A : vector<4096x32xf32>
    %get3A_6 = arith.constant 2 : index
    %get3A_7 = arith.constant 0 : index
    %get3A_8 = vector.load %arg3[%get3A_6, %get3A_7] : memref<8x128xf32, #tpu.memory_space<vmem>>, vector<1x32xf32>
    %add3A = vector.broadcast %get3A_8 : vector<1x32xf32> to vector<4096x32xf32>
    %add3A_9 = arith.addf %mul3A_5, %add3A : vector<4096x32xf32>
    %max3A = arith.constant 0.000000e+00 : f32
    %max3A_10 = vector.broadcast %max3A : f32 to vector<4096x32xf32>
    %max3A_11 = arith.maximumf %add3A_9, %max3A_10 : vector<4096x32xf32>
    %get3A_12 = arith.constant 0 : index
    %get3A_13 = arith.constant 0 : index
    %get3A_14 = vector.load %arg2[%get3A_12, %get3A_13] : memref<32x64xf32, #tpu.memory_space<vmem>>, vector<32x64xf32>
    %convert_element_type3A = arith.truncf %get3A_14 : vector<32x64xf32> to vector<32x64xbf16>
    %convert_element_type3A_15 = arith.truncf %max3A_11 : vector<4096x32xf32> to vector<4096x32xbf16>
    %dot_general3A = arith.constant dense<0.000000e+00> : vector<4096x64xf32>
    %dot_general3A_16 = tpu.matmul %convert_element_type3A_15, %convert_element_type3A, %dot_general3A {dimension_numbers = #tpu.dot_dimension_numbers<[1], [0], [0], [1], [0, 0, 1, 1], [], []>, transpose_lhs_hint = false} : vector<4096x32xbf16>, vector<32x64xbf16>, vector<4096x64xf32> -> vector<4096x64xf32>
    %get3A_17 = arith.constant 0 : index
    %get3A_18 = arith.constant 0 : index
    %get3A_19 = vector.load %arg3[%get3A_17, %get3A_18] : memref<8x128xf32, #tpu.memory_space<vmem>>, vector<1x64xf32>
    %add3A_20 = vector.broadcast %get3A_19 : vector<1x64xf32> to vector<4096x64xf32>
    %add3A_21 = arith.addf %dot_general3A_16, %add3A_20 : vector<4096x64xf32>
    %swap3A = arith.constant 0 : index
    %swap3A_22 = arith.constant 0 : index
    %swap3A_23 = vector.load %arg4[%swap3A, %swap3A_22] : memref<4096x64xf32, #tpu.memory_space<vmem>>, vector<4096x64xf32>
    tpu.vector_store %arg4[%swap3A, %swap3A_22], %add3A_21 {strides = array<i32>} : memref<4096x64xf32, #tpu.memory_space<vmem>>, vector<4096x64xf32>,
    %eq3A = arith.constant 0 : i32
    %eq3A_24 = arith.cmpi eq, %arg0, %eq3A : i32
    %convert_element_type3A_25 = arith.extui %eq3A_24 : i1 to i32
    %cond3A = arith.constant 0 : i32
    %cond3A_26 = arith.cmpi ne, %convert_element_type3A_25, %cond3A : i32
    scf.if %cond3A_26 {
      %broadcast_in_dim3A_46 = arith.constant 0.000000e+00 : f32
      %broadcast_in_dim3A_47 = vector.broadcast %broadcast_in_dim3A_46 : f32 to vector<8x128xf32>
      %swap3A_48 = arith.constant 0 : index
      %swap3A_49 = arith.constant 0 : index
      %swap3A_50 = vector.load %arg5[%swap3A_48, %swap3A_49] : memref<8x128xf32, #tpu.memory_space<vmem>>, vector<8x128xf32>
      tpu.vector_store %arg5[%swap3A_48, %swap3A_49], %broadcast_in_dim3A_47 {strides = array<i32>} : memref<8x128xf32, #tpu.memory_space<vmem>>, vector<8x128xf32>,
    } else {
    }
    %get3A_27 = arith.constant 0 : index
    %get3A_28 = arith.constant 0 : index
    %get3A_29 = vector.load %arg5[%get3A_27, %get3A_28] : memref<8x128xf32, #tpu.memory_space<vmem>>, vector<1x64xf32>
    %reduce_sum3A = arith.constant dense<0.000000e+00> : vector<64xf32>
    %reduce_sum3A_30 = vector.multi_reduction <add>, %add3A_21, %reduce_sum3A [0] : vector<4096x64xf32> to vector<64xf32>
    %broadcast_in_dim3A = vector.shape_cast %reduce_sum3A_30 : vector<64xf32> to vector<1x64xf32>
    %add3A_31 = arith.addf %get3A_29, %broadcast_in_dim3A : vector<1x64xf32>
    %swap3A_32 = arith.constant 0 : index
    %swap3A_33 = arith.constant 0 : index
    %swap3A_34 = vector.load %arg5[%swap3A_32, %swap3A_33] : memref<8x128xf32, #tpu.memory_space<vmem>>, vector<1x64xf32>
    tpu.vector_store %arg5[%swap3A_32, %swap3A_33], %add3A_31 {strides = array<i32>} : memref<8x128xf32, #tpu.memory_space<vmem>>, vector<1x64xf32>,
    %get3A_35 = arith.constant 1 : index
    %get3A_36 = arith.constant 0 : index
    %get3A_37 = vector.load %arg5[%get3A_35, %get3A_36] : memref<8x128xf32, #tpu.memory_space<vmem>>, vector<1x64xf32>
    %mul3A_38 = arith.mulf %add3A_21, %add3A_21 : vector<4096x64xf32>
    %reduce_sum3A_39 = arith.constant dense<0.000000e+00> : vector<64xf32>
    %reduce_sum3A_40 = vector.multi_reduction <add>, %mul3A_38, %reduce_sum3A_39 [0] : vector<4096x64xf32> to vector<64xf32>
    %broadcast_in_dim3A_41 = vector.shape_cast %reduce_sum3A_40 : vector<64xf32> to vector<1x64xf32>
    %add3A_42 = arith.addf %get3A_37, %broadcast_in_dim3A_41 : vector<1x64xf32>
    %swap3A_43 = arith.constant 1 : index
    %swap3A_44 = arith.constant 0 : index
    %swap3A_45 = vector.load %arg5[%swap3A_43, %swap3A_44] : memref<8x128xf32, #tpu.memory_space<vmem>>, vector<1x64xf32>
    tpu.vector_store %arg5[%swap3A_43, %swap3A_44], %add3A_42 {strides = array<i32>} : memref<8x128xf32, #tpu.memory_space<vmem>>, vector<1x64xf32>,
    return
  }
  func.func @transform_0(%arg0: i32) -> (i32, i32) {
    %c0_i32 = arith.constant 0 : i32
    %c0_i32_0 = arith.constant 0 : i32
    return %arg0, %c0_i32 : i32, i32
  }
  func.func @transform_1(%arg0: i32) -> (i32, i32) {
    %c0_i32 = arith.constant 0 : i32
    %c0_i32_0 = arith.constant 0 : i32
    %c0_i32_1 = arith.constant 0 : i32
    return %c0_i32, %c0_i32_0 : i32, i32
  }
  func.func @transform_2(%arg0: i32) -> (i32, i32) {
    %c0_i32 = arith.constant 0 : i32
    %c0_i32_0 = arith.constant 0 : i32
    %c0_i32_1 = arith.constant 0 : i32
    return %c0_i32, %c0_i32_0 : i32, i32
  }
  func.func @transform_3(%arg0: i32) -> (i32, i32) {
    %c0_i32 = arith.constant 0 : i32
    %c0_i32_0 = arith.constant 0 : i32
    return %arg0, %c0_i32 : i32, i32
  }
  func.func @transform_4(%arg0: i32) -> (i32, i32) {
    %c0_i32 = arith.constant 0 : i32
    %c0_i32_0 = arith.constant 0 : i32
    %c0_i32_1 = arith.constant 0 : i32
    return %c0_i32, %c0_i32_0 : i32, i32
  }
}

module attributes {stable_mosaic.version = 14 : i64} {
  func.func @_act_pool_body(%arg0: i32, %arg1: memref<4096x64xf32, #tpu.memory_space<vmem>>, %arg2: memref<8x128xf32, #tpu.memory_space<vmem>>, %arg3: memref<128x64xf32, #tpu.memory_space<vmem>>) attributes {dimension_semantics = [#tpu.dimension_semantics<arbitrary>], iteration_bounds = array<i64: 16>, scalar_prefetch = 0 : i64, scratch_operands = 0 : i64, tpu.core_type = #tpu.core_type<tc>, window_params = [{transform_indices = @transform_0, window_bounds = array<i64: 4096, 64>}, {pipeline_mode = #tpu.pipeline_mode<synchronous>, transform_indices = @transform_1, window_bounds = array<i64: 8, 128>}, {transform_indices = @transform_2, window_bounds = array<i64: 128, 64>}]} {
    %get3A = arith.constant 0 : index
    %get3A_0 = arith.constant 0 : index
    %get3A_1 = vector.load %arg1[%get3A, %get3A_0] : memref<4096x64xf32, #tpu.memory_space<vmem>>, vector<4096x64xf32>
    %get3A_2 = arith.constant 1 : index
    %get3A_3 = arith.constant 0 : index
    %get3A_4 = vector.load %arg2[%get3A_2, %get3A_3] : memref<8x128xf32, #tpu.memory_space<vmem>>, vector<1x64xf32>
    %mul3A = vector.broadcast %get3A_4 : vector<1x64xf32> to vector<4096x64xf32>
    %mul3A_5 = arith.mulf %get3A_1, %mul3A : vector<4096x64xf32>
    %get3A_6 = arith.constant 2 : index
    %get3A_7 = arith.constant 0 : index
    %get3A_8 = vector.load %arg2[%get3A_6, %get3A_7] : memref<8x128xf32, #tpu.memory_space<vmem>>, vector<1x64xf32>
    %add3A = vector.broadcast %get3A_8 : vector<1x64xf32> to vector<4096x64xf32>
    %add3A_9 = arith.addf %mul3A_5, %add3A : vector<4096x64xf32>
    %max3A = arith.constant 0.000000e+00 : f32
    %max3A_10 = vector.broadcast %max3A : f32 to vector<4096x64xf32>
    %max3A_11 = arith.maximumf %add3A_9, %max3A_10 : vector<4096x64xf32>
    %reshape3A = vector.shape_cast %max3A_11 : vector<4096x64xf32> to vector<128x32x64xf32>
    %reduce_max3A = arith.constant dense<0xFF800000> : vector<128x64xf32>
    %reduce_max3A_12 = vector.multi_reduction <maximumf>, %reshape3A, %reduce_max3A [1] : vector<128x32x64xf32> to vector<128x64xf32>
    %swap3A = arith.constant 0 : index
    %swap3A_13 = arith.constant 0 : index
    %swap3A_14 = vector.load %arg3[%swap3A, %swap3A_13] : memref<128x64xf32, #tpu.memory_space<vmem>>, vector<128x64xf32>
    tpu.vector_store %arg3[%swap3A, %swap3A_13], %reduce_max3A_12 {strides = array<i32>} : memref<128x64xf32, #tpu.memory_space<vmem>>, vector<128x64xf32>,
    return
  }
  func.func @transform_0(%arg0: i32) -> (i32, i32) {
    %c0_i32 = arith.constant 0 : i32
    %c0_i32_0 = arith.constant 0 : i32
    return %arg0, %c0_i32 : i32, i32
  }
  func.func @transform_1(%arg0: i32) -> (i32, i32) {
    %c0_i32 = arith.constant 0 : i32
    %c0_i32_0 = arith.constant 0 : i32
    %c0_i32_1 = arith.constant 0 : i32
    return %c0_i32, %c0_i32_0 : i32, i32
  }
  func.func @transform_2(%arg0: i32) -> (i32, i32) {
    %c0_i32 = arith.constant 0 : i32
    %c0_i32_0 = arith.constant 0 : i32
    return %arg0, %c0_i32 : i32, i32
  }
}

</mosaic_0001>

<sc_bundles>
// kernel: kernel.8.cloned.1.call-start
scs
__scs_entry_jumppad:
0x0: {  	(pc) =	sbr.rel $0x88, $3  }
0x1: {  	(tag) =	ssettag $0x0;
	lr =	simm.s32 $0x1  }
0x2: {  	[smem:$0x3F93] =	sst lr;
	_ =	strace $0xD0000000  }
0x3: {  	_ = 	snop  }
0x4: {  	_ = 	snop  }
0x5: {  	_ = 	snop  }
0x6: {  	_ = 	snop  }
0x7: {  	_ = 	snop  }
__scs_overlays_trampoline_lowered:
0x8: {  	[smem:$0x3FA2] =	sst s0  }
0x9: {  	[smem:$0x3FA3] =	sst s1  }
0xa: {  	[smem:$0x3FA4] =	sst s2  }
0xb: {  	[smem:$0x3FA5] =	sst s3  }
0xc: {  	[smem:$0x3FA6] =	sst s4  }
0xd: {  	[smem:$0x3FA7] =	sst s5  }
0xe: {  	[smem:$0x3FA8] =	sst s6  }
0xf: {  	[smem:$0x3FA9] =	sst s7  }
0x10: {  	[smem:$0x3FAA] =	sst s8  }
0x11: {  	[smem:$0x3FAB] =	sst s9;
	s0 =	simm.s32 @!p0 $0x0  }
0x12: {  	s1 =	sld [smem:$0x3F91];
	s0 =	simm.s32 @p0 $0x1  }
0x13: {  	[smem:$0x3FAC] =	sst s0;
	s0 =	simm.s32 @!p1 $0x0  }
0x14: {  	s2 =	sld [smem:$0x3F90];
	s0 =	simm.s32 @p1 $0x1  }
0x15: {  	[smem:$0x3FAD] =	sst s0;
	s0 =	simm.s32 @!p2 $0x0  }
0x16: {  	s3 =	sld [smem:$0x3FDB];
	s0 =	simm.s32 @p2 $0x1  }
0x17: {  	s4 =	simm.s32 $0x1BF5;
	[smem:$0x3FAF] =	sst s0  }
0x18: {  	s0 =	sld [smem:$0x3F92];
	_ =	swait.ge [sflag:s4], $0x0  }
0x19: {  	s7 =	sld [smem:$0x3F93]  }
0x1a: {  	s8 =	sadd.s32 $0xFFFFE003, lr  }
0x1b: {  	s9 =	sadd.s32 $0xFFFFFEF7, lr;
	s5 =	simm.s32 $0xFFFFFFFF;
	p2 =	slt.u32 s8, $0xFFFFF086  }
0x1c: {  	p1 =	slt.u32 s9, $0xF7A;
	s5 =	simm.s32 @!p2 $0x0  }
0x1d: {  	s5 =	simm.s32 @p1 $0x1;
	p0 =	seq.s32 s7, s2  }
0x1e: {  	s7 =	smul.u32 @!p0 $0xF7A, s2;
	p2 =	seq.s32 @!p0 s5, $0x0  }
0x1f: {  	s9 =	smul.u32 $0xF7A, s1;
	s8 =	simm.s32 @!p0 $0x1BF5;
	p2 =	por !p2, p0  }
0x20: {  	[sflag:s8] =	ssyncset.s32 @!p0 $0xFFFFF086;
	s6 =	sadd.s32 @!p0 s3, s7;
	s7 =	simm.s32 @!p0 $0x108  }
0x21: {  	s3 =	sadd.s32 s3, s9;
	s6 =	sadd.s32 @!p0 $0x88, s6;
	s7 =	simm.s32 @p2 $0x1082  }
0x22: {  	[simem:s7], [sflag:s8] =	dma.local @!p0 [hbm:s6], $0xF7A  }
0x23: {  	s9 =	sor.u32 $0xD0000000, s2;
	s6 =	simm.s32 $0x108;
	_ =	swait.ge @!p0 [sflag:s8], $0x0  }
0x24: {  	s3 =	sadd.s32 $0x88, s3;
	s6 =	simm.s32 @!p1 $0x1082;
	[sflag:s4] =	ssyncset.s32 $0xFFFFF086  }
0x25: {  	[simem:s6], [sflag:s4] =	dma.local [hbm:s3], $0xF7A  }
0x26: {  	[smem:$0x3F93] =	sst s1;
	(tag) =	ssettag s2;
	_ =	strace s9  }
0x27: {  	s1 =	sld [smem:$0x3FA3]  }
0x28: {  	s2 =	sld [smem:$0x3FA4]  }
0x29: {  	s4 =	sld [smem:$0x3FA6]  }
0x2a: {  	p0 =	seq.s32 s5, $0x0;
	s5 =	sld [smem:$0x3FA7]  }
0x2b: {  	s6 =	sld [smem:$0x3FA8]  }
0x2c: {  	s7 =	sld [smem:$0x3FA9]  }
0x2d: {  	s3 =	simm.s32 $0x108;
	s8 =	sld [smem:$0x3FAA]  }
0x2e: {  	s3 =	simm.s32 @!p0 $0x1082;
	s9 =	sld [smem:$0x3FAB]  }
0x2f: {  	lr =	sadd.s32 s0, s3;
	s0 =	sld [smem:$0x3FA2]  }
0x30: {  	s3 =	sld [smem:$0x3FA5]  }
0x31: {  	[smem:$0x3FAE] =	sst s10  }
0x32: {  	s10 =	sld [smem:$0x3FAC];
	_ =	sdelay $0x3  }
0x33: {  	p0 =	seq.s32 s10, $0x1;
	s10 =	sld [smem:$0x3FAE];
	_ =	sdelay $0x3  }
0x34: {  	[smem:$0x3FAE] =	sst s10  }
0x35: {  	s10 =	sld [smem:$0x3FAD];
	_ =	sdelay $0x3  }
0x36: {  	p1 =	seq.s32 s10, $0x1;
	s10 =	sld [smem:$0x3FAE];
	_ =	sdelay $0x3  }
0x37: {  	[smem:$0x3FAE] =	sst s10  }
0x38: {  	s10 =	sld [smem:$0x3FAF]  }
0x39: {  	_ = 	snop;
	(pc) =	sbr.ind lr, $3  }
0x3a: {  	_ = 	snop  }
0x3b: {  	_ = 	snop  }
0x3c: {  	p2 =	seq.s32 s10, $0x1;
	s10 =	sld [smem:$0x3FAE]  }
0x3d: {  	_ =	shalt  }
0x3e: {  	_ =	shalt  }
0x3f: {  	_ =	shalt  }
0x40: {  	_ =	shalt  }
0x41: {  	_ =	shalt  }
0x42: {  	_ =	shalt  }
0x43: {  	_ =	shalt  }
0x44: {  	_ =	shalt  }
0x45: {  	_ =	shalt  }
0x46: {  	_ =	shalt  }
0x47: {  	_ =	shalt  }
0x48: {  	_ =	shalt  }
0x49: {  	_ =	shalt  }
0x4a: {  	_ =	shalt  }
0x4b: {  	_ =	shalt  }
0x4c: {  	_ =	shalt  }
0x4d: {  	_ =	shalt  }
0x4e: {  	_ =	shalt  }
0x4f: {  	_ =	shalt  }
0x50: {  	_ =	shalt  }
0x51: {  	_ =	shalt  }
0x52: {  	_ =	shalt  }
0x53: {  	_ =	shalt  }
0x54: {  	_ =	shalt  }
0x55: {  	_ =	shalt  }
0x56: {  	_ =	shalt  }
0x57: {  	_ =	shalt  }
0x58: {  	_ =	shalt  }
0x59: {  	_ =	shalt  }
0x5a: {  	_ =	shalt  }
0x5b: {  	_ =	shalt  }
0x5c: {  	_ =	shalt  }
0x5d: {  	_ =	shalt  }
0x5e: {  	_ =	shalt  }
0x5f: {  	_ =	shalt  }
0x60: {  	_ =	shalt  }
0x61: {  	_ =	shalt  }
0x62: {  	_ =	shalt  }
0x63: {  	_ =	shalt  }
0x64: {  	_ =	shalt  }
0x65: {  	_ =	shalt  }
0x66: {  	_ =	shalt  }
0x67: {  	_ =	shalt  }
0x68: {  	_ =	shalt  }
0x69: {  	_ =	shalt  }
0x6a: {  	_ =	shalt  }
0x6b: {  	_ =	shalt  }
0x6c: {  	_ =	shalt  }
0x6d: {  	_ =	shalt  }
0x6e: {  	_ =	shalt  }
0x6f: {  	_ =	shalt  }
0x70: {  	_ =	shalt  }
0x71: {  	_ =	shalt  }
0x72: {  	_ =	shalt  }
0x73: {  	_ =	shalt  }
0x74: {  	_ =	shalt  }
0x75: {  	_ =	shalt  }
0x76: {  	_ =	shalt  }
0x77: {  	_ =	shalt  }
0x78: {  	_ =	shalt  }
0x79: {  	_ =	shalt  }
0x7a: {  	_ =	shalt  }
0x7b: {  	_ =	shalt  }
0x7c: {  	_ =	shalt  }
0x7d: {  	_ =	shalt  }
0x7e: {  	_ =	shalt  }
0x7f: {  	_ =	shalt  }
0x80: {  	_ =	shalt  }
0x81: {  	_ =	shalt  }
0x82: {  	_ =	shalt  }
0x83: {  	_ =	shalt  }
0x84: {  	_ =	shalt  }
0x85: {  	_ =	shalt  }
0x86: {  	_ =	shalt  }
0x87: {  	_ =	shalt  }
.Lfunc_end0:
.L_simem_size_0:
called_computation.1_lowered:
.L_overlay_start_0:
0x88: {  	s2 =	sld [smem:$0x3FD9]  }
0x89: {  	s3 =	sld [smem:$0x3FFE];
	_ =	sdelay $0x1  }
0x8a: {  	s1 =	srdreg.scid  }
0x8b: {  	s0 =	sand.u32 $0x1, s1  }
0x8c: {  	s16 =	sshll.u32 s0, $0xA;
	s2 =	sadd.s32 s3, s2  }
0x8d: {  	s2 =	sadd.s32 s2, s16  }
0x8e: {  	[smem:$0x3FBA] =	sst s2  }
0x8f: {  	_ = 	snop  }
0x90: {  	(tm) =	ssettm $0x1  }
0x91: {  	s17 =	sld [smem:$0x3FFB];
	_ =	sdelay $0x3  }
0x92: {  	_ =	strace s17  }
0x93: {  	s2 =	sld [smem:$0x3FFC];
	_ =	sdelay $0x3  }
0x94: {  	_ =	strace s2  }
0x95: {  	s2 =	sld [smem:$0x3FFD];
	_ =	sdelay $0x3  }
0x96: {  	_ =	strace s2  }
0x97: {  	_ =	strace $0x8FFFFFFF  }
0x98: {  	s18 =	sld [smem:$0x3FDB];
	_ =	sdelay $0x1  }
0x99: {  	s19 =	simm.s32 $_scs_section_size  }
0x9a: {  	s4 =	simm.s32 $_size__tile_overlayer_lowered;
	s5 =	simm.s32 $_tile_overlayer_lowered  }
0x9b: {  	s22 =	simm.s32 $0x1BFF;
	s21 =	sshll.u32 s5, $0x1;
	s2 =	sadd.s32 s19, s18  }
0x9c: {  	s6 =	simm.s32 $0x0;
	s20 =	sshll.u32 s4, $0x1;
	s4 =	sadd.s32 s21, s2  }
0x9d: {  	[timem:s6], [sflag:s22] =	dma.local [hbm:s4], s20  }
0x9e: {  	_ =	swait.ge [sflag:s22], s20  }
0x9f: {  	s3 =	ssub.s32 $0x0, s20;
	[sflag:s22] =	ssyncset.done $0x0  }
0xa0: {  	[sflag:s22] =	ssyncadd.s32 s3;
	_ =	sdelay $0x1  }
0xa1: {  	s23 =	simm.s32 $0x1B8B  }
0xa2: {  	_ =	swait.ge [sflag:s23], $0x1  }
0xa3: {  	[sflag:s23] =	ssyncset.done $0x0  }
0xa4: {  	s25 =	simm.s32 $0x1B8E;
	s24 =	sld [smem:$0x3FFE];
	[sflag:s23] =	ssyncadd.s32 $0xFFFFFFFF  }
0xa5: {  	s26 =	simm.s32 $execute0_lowered;
	[smem:$0x3FD2] =	sst s25  }
0xa6: {  	s4 =	sshll.u32 s26, $0x1;
	_ =	strace $0x80000049;
	[dreg:$0x1] =	wrdreg $0xFFFFFFFF  }
0xa7: {  	s28 =	simm.s32 $_size_execute0_lowered;
	s2 =	sadd.s32 s2, s4;
	[dreg:$0x0] =	wrdreg $0x0  }
0xa8: {  	s4 =	sshll.u32 s28, $0x1;
	[dreg:$0x2] =	wrdreg s2  }
0xa9: {  	[dreg:$0x3] =	wrdreg s4  }
0xaa: {  	[dreg:$0x4] =	wrdreg $0xC0  }
0xab: {  	_ =	task [dreg:s6], $0x5FFFF  }
0xac: {  	[dreg:$0x1] =	wrdreg $0xFFFFFFFF  }
0xad: {  	[dreg:$0x0] =	wrdreg $0x60  }
0xae: {  	[dreg:$0x2] =	wrdreg s24  }
0xaf: {  	[dreg:$0x3] =	wrdreg $0x9  }
0xb0: {  	_ =	task.clear_ibuf [dreg:s6], $0x4FFFF;
	_ =	strace $0x90000049  }
0xb1: {  	s29 =	simm.s32 $0x9;
	_ =	strace $0x8000004B  }
0xb2: {  	_ =	swait.ge [sflag:s29], $0x1  }
0xb3: {  	[sflag:s29] =	ssyncadd.s32 $0xFFFFFFFF  }
0xb4: {  	_ =	strace $0x9000004B  }
0xb5: {  	_ =	sfence  }
0xb6: {  	s30 =	sld [smem:$0x0];
	_ =	sdelay $0x2  }
0xb7: {  	s31 =	sshll.u32 s1, $0xD;
	s1 =	sshrl.u32 s1, $0x2  }
0xb8: {  	s3 =	sand.u32 $0x4000, s31;
	s1 =	sadd.s32 s1, s30  }
0xb9: {  	s0 =	sor.u32 s3, s0;
	s1 =	sshll.u32 s1, $0x11  }
0xba: {  	s0 =	sor.u32 s1, s0  }
0xbb: {  	s0 =	sadd.s32 $0x8F2B, s0  }
0xbc: {  	[sflag:s0] =	ssyncadd.remote.s32 $0x1  }
0xbd: {  	_ =	sfence.sel $0xFFFF  }
0xbe: {  	[dreg:$0x0] =	wrdreg $0xFFFFFFFF;
	(pc) =	sbr.abs _section_cstart, $3  }
0xbf: {  	[dreg:$0x1] =	wrdreg $0xFFFFFFFF  }
0xc0: {  	_ =	task.clear_ibuf [dreg:s6], $0x2FFFF;
	_ =	strace $0x9FFFFFFF  }
0xc1: {  	(tm) =	ssettm $0x7FFFFFFF  }
tec
execute0_lowered:
.L_overlay_start_1:
0x0: {  	(tag) =	ssettag $0x1  }
0x1: {  	s6 =	rddreg [dreg:$0x0];
	s2 =	srdreg.scid  }
0x2: {  	s0 =	rddreg [dreg:$0x1];
	s1 =	stileid.u32  }
0x3: {  	s11 =	simm.s32 $0x20;
	s12 =	simm.s32 $0x2080;
	s13 =	simm.s32 $0x1  }
0x4: {  	s14 =	simm.s32 $0x3080;
	s15 =	simm.s32 $0x0;
	s7 =	sand.u32 $0x1, s2  }
0x5: {  	s2 =	simm.s32 $0x0;
	s3 =	sshll.u32 s1, $0xB;
	s5 =	sadd.s32 $0x489800, s6  }
0x6: {  	s9 =	sshll.u32 s1, $0x10;
	s4 =	sshll.u32 s7, $0xA;
	[smem:$0x7FF] =	sst s2  }
0x7: {  	s10 =	ssub.s32 $0x2, s7;
	s9 =	sadd.s32 s9, s6;
	s7 =	sshll.u32 s7, $0xF  }
0x8: {  	s3 =	sor.u32 s4, s3;
	_ =	strace $0x8000004A;
	s4 =	sadd.s32 $0x409800, s6  }
0x9: {  	s30 =	sshrl.u32 s10, $0x1;
	s31 =	sadd.s32 s7, s9;
	s8 =	sadd.s32 s3, s6  }
0xa: {  	s9 =	simm.s32 $0x2;
	s10 =	ssub.s32 s10, s30;
	s6 =	sadd.s32 $0x401800, s8  }
0xb: {  	vm0 =	vmmov $0x7;
	s7 =	smax.u32 s10, $0x1;
	s8 =	sadd.s32 $0x1800, s31;
	s10 =	simm.s32 $0x2000  }
.LBB2_1:
0xc: {  	[tilespmem:s2], [sflag:$0x2] =	stream.linear.gather [hbm4b:s6+s2], $0x2000, $0x38;
	[tilespmem:$0x4080] =	vst v63  }
0xd: {  	_ =	swait.ge [sflag:s9], $0x2000  }
0xe: {  	s16 =	smov.u32 s8;
	[sflag:s9] =	ssyncset.done $0x0  }
0xf: {  	s17 =	simm.s32 $0x0;
	s18 =	simm.s32 $0x0;
	[sflag:s9] =	ssyncadd.s32 $0xFFFFE000  }
.LBB2_2:
0x10: {  	s19 =	sadd.s32 s18, s3;
	s20 =	sand.u32 $0x70, s18  }
0x11: {  	s19 =	sand.u32 $0x7F80, s19;
	s20 =	sadd.s32 s4, s20  }
0x12: {  	s19 =	sadd.s32 s19, s20  }
0x13: {  	[tilespmem:s10], [sflag:$0x2] =	stream.linear.gather [hbm4b:s19+s2], $0x80, $0x38;
	[tilespmem:$0x4080] =	vst v63  }
0x14: {  	_ =	swait.ge [sflag:s9], $0x80  }
0x15: {  	[sflag:s9] =	ssyncset.done $0x0  }
0x16: {  	[sflag:s9] =	ssyncadd.s32 $0xFFFFFF80  }
0x17: {  	[tilespmem:s12], [sflag:$0x1] =	stream.indirect.gather [hbm4b:s5+s11], $0x80, s10, s11, $0xb8;
	[tilespmem:$0x4080] =	vst v63  }
0x18: {  	_ =	swait.ge [sflag:s13], $0x1000  }
0x19: {  	[sflag:s13] =	ssyncset.done $0x0  }
0x1a: {  	[sflag:s13] =	ssyncadd.s32 $0xFFFFF000  }
0x1b: {  	v0 =	vld [tilespmem:s17+$0x0]  }
0x1c: {  	v1 =	vld [tilespmem:$0x2080]  }
0x1d: {  	v2 =	vld [tilespmem:$0x2100]  }
0x1e: {  	v3 =	vld [tilespmem:$0x2090]  }
0x1f: {  	v5 =	vld [tilespmem:$0x2110]  }
0x20: {  	v32 =	vld [tilespmem:$0x2190]  }
0x21: {  	v35 =	vld [tilespmem:$0x2210]  }
0x22: {  	v38 =	vld [tilespmem:$0x2290]  }
0x23: {  	v41 =	vld [tilespmem:$0x2310];
	[tilespmem:$0x3090] =	vst v3  }
0x24: {  	v44 =	vld [tilespmem:$0x2390];
	[tilespmem:$0x3110] =	vst v5  }
0x25: {  	v47 =	vld [tilespmem:$0x2410];
	[tilespmem:$0x3190] =	vst v32  }
0x26: {  	v50 =	vld [tilespmem:$0x2490];
	[tilespmem:$0x3210] =	vst v35  }
0x27: {  	v53 =	vld [tilespmem:$0x2510];
	[tilespmem:$0x3290] =	vst v38  }
0x28: {  	v56 =	vld [tilespmem:$0x2590];
	[tilespmem:$0x3310] =	vst v41  }
0x29: {  	v59 =	vld [tilespmem:$0x2610];
	[tilespmem:$0x3390] =	vst v44  }
0x2a: {  	v62 =	vld [tilespmem:$0x2690];
	[tilespmem:$0x3410] =	vst v47  }
0x2b: {  	v10 =	vld [tilespmem:$0x2710];
	[tilespmem:$0x3490] =	vst v50  }
0x2c: {  	v13 =	vld [tilespmem:$0x2790];
	[tilespmem:$0x3510] =	vst v53  }
0x2d: {  	v16 =	vld [tilespmem:$0x2810];
	[tilespmem:$0x3590] =	vst v56  }
0x2e: {  	v19 =	vld [tilespmem:$0x2890];
	[tilespmem:$0x3610] =	vst v59  }
0x2f: {  	v22 =	vld [tilespmem:$0x2910];
	[tilespmem:$0x3690] =	vst v62  }
0x30: {  	v25 =	vld [tilespmem:$0x2990];
	[tilespmem:$0x3710] =	vst v10  }
0x31: {  	v28 =	vld [tilespmem:$0x2A10];
	[tilespmem:$0x3790] =	vst v13  }
0x32: {  	v4 =	vld [tilespmem:$0x2180];
	[tilespmem:$0x3810] =	vst v16  }
0x33: {  	v6 =	vld [tilespmem:$0x2200];
	[tilespmem:$0x3890] =	vst v19  }
0x34: {  	v33 =	vld [tilespmem:$0x2280];
	v0 =	vnsel vm0, $0x0, v0;
	[tilespmem:$0x3910] =	vst v22  }
0x35: {  	v36 =	vld [tilespmem:$0x2300];
	[tilespmem:$0x3990] =	vst v25;
	v1 =	vsub.f32 v1, v0  }
0x36: {  	v39 =	vld [tilespmem:$0x2380];
	[tilespmem:$0x3A10] =	vst v28;
	v31 =	vsub.f32 v2, v0  }
0x37: {  	v42 =	vld [tilespmem:$0x2400];
	v34 =	vsub.f32 v4, v0;
	[tilespmem:$0x3080] =	vst v1  }
0x38: {  	v45 =	vld [tilespmem:$0x2480];
	v37 =	vsub.f32 v6, v0;
	[tilespmem:$0x3100] =	vst v31  }
0x39: {  	v48 =	vld [tilespmem:$0x2500];
	v40 =	vsub.f32 v33, v0;
	[tilespmem:$0x3180] =	vst v34  }
0x3a: {  	v51 =	vld [tilespmem:$0x2580];
	v43 =	vsub.f32 v36, v0;
	[tilespmem:$0x3200] =	vst v37  }
0x3b: {  	v54 =	vld [tilespmem:$0x2600];
	v46 =	vsub.f32 v39, v0;
	[tilespmem:$0x3280] =	vst v40  }
0x3c: {  	v57 =	vld [tilespmem:$0x2680];
	v49 =	vsub.f32 v42, v0;
	[tilespmem:$0x3300] =	vst v43  }
0x3d: {  	v60 =	vld [tilespmem:$0x2700];
	v52 =	vsub.f32 v45, v0;
	[tilespmem:$0x3380] =	vst v46  }
0x3e: {  	v63 =	vld [tilespmem:$0x2780];
	v55 =	vsub.f32 v48, v0;
	[tilespmem:$0x3400] =	vst v49  }
0x3f: {  	v11 =	vld [tilespmem:$0x2800];
	v58 =	vsub.f32 v51, v0;
	[tilespmem:$0x3480] =	vst v52  }
0x40: {  	v14 =	vld [tilespmem:$0x2880];
	v61 =	vsub.f32 v54, v0;
	[tilespmem:$0x3500] =	vst v55  }
0x41: {  	v17 =	vld [tilespmem:$0x2900];
	v9 =	vsub.f32 v57, v0;
	[tilespmem:$0x3580] =	vst v58  }
0x42: {  	v20 =	vld [tilespmem:$0x2980];
	v12 =	vsub.f32 v60, v0;
	[tilespmem:$0x3600] =	vst v61  }
0x43: {  	v23 =	vld [tilespmem:$0x2A00];
	v15 =	vsub.f32 v63, v0;
	[tilespmem:$0x3680] =	vst v9  }
0x44: {  	v26 =	vld [tilespmem:$0x2A80];
	v18 =	vsub.f32 v11, v0;
	[tilespmem:$0x3700] =	vst v12  }
0x45: {  	v29 =	vld [tilespmem:$0x2B00];
	v21 =	vsub.f32 v14, v0;
	[tilespmem:$0x3780] =	vst v15  }
0x46: {  	v32 =	vld [tilespmem:$0x2B80];
	v24 =	vsub.f32 v17, v0;
	[tilespmem:$0x3800] =	vst v18  }
0x47: {  	v35 =	vld [tilespmem:$0x2C00];
	v27 =	vsub.f32 v20, v0;
	[tilespmem:$0x3880] =	vst v21  }
0x48: {  	v30 =	vsub.f32 v23, v0;
	v63 =	vld [tilespmem:$0x3010];
	[tilespmem:$0x3900] =	vst v24  }
0x49: {  	v38 =	vld [tilespmem:$0x2C80];
	v33 =	vsub.f32 v26, v0;
	[tilespmem:$0x3980] =	vst v27  }
0x4a: {  	v41 =	vld [tilespmem:$0x2D00];
	v36 =	vsub.f32 v29, v0;
	[tilespmem:$0x3A00] =	vst v30  }
0x4b: {  	v44 =	vld [tilespmem:$0x2D80];
	[tilespmem:$0x3A80] =	vst v33  }
0x4c: {  	v47 =	vld [tilespmem:$0x2E00];
	[tilespmem:$0x3B00] =	vst v36;
	v39 =	vsub.f32 v32, v0  }
0x4d: {  	v50 =	vld [tilespmem:$0x2E80];
	v42 =	vsub.f32 v35, v0;
	[tilespmem:$0x4010] =	vst v63  }
0x4e: {  	v53 =	vld [tilespmem:$0x2F00];
	v45 =	vsub.f32 v38, v0;
	[tilespmem:$0x3B80] =	vst v39  }
0x4f: {  	v56 =	vld [tilespmem:$0x2F80];
	v48 =	vsub.f32 v41, v0;
	[tilespmem:$0x3C00] =	vst v42  }
0x50: {  	v59 =	vld [tilespmem:$0x3000];
	v51 =	vsub.f32 v44, v0;
	[tilespmem:$0x3C80] =	vst v45  }
0x51: {  	v54 =	vsub.f32 v47, v0;
	[tilespmem:$0x3D00] =	vst v48  }
0x52: {  	v57 =	vsub.f32 v50, v0;
	[tilespmem:$0x3D80] =	vst v51  }
0x53: {  	v31 =	vld [tilespmem:$0x2A90];
	v60 =	vsub.f32 v53, v0;
	[tilespmem:$0x3E00] =	vst v54  }
0x54: {  	v34 =	vld [tilespmem:$0x2B10];
	v62 =	vsub.f32 v56, v0;
	[tilespmem:$0x3E80] =	vst v57  }
0x55: {  	v37 =	vld [tilespmem:$0x2B90];
	v0 =	vsub.f32 v59, v0;
	[tilespmem:$0x3F00] =	vst v60  }
0x56: {  	v40 =	vld [tilespmem:$0x2C10];
	[tilespmem:$0x3F80] =	vst v62  }
0x57: {  	v43 =	vld [tilespmem:$0x2C90];
	[tilespmem:$0x4000] =	vst v0  }
0x58: {  	v46 =	vld [tilespmem:$0x2D10];
	[tilespmem:$0x3A90] =	vst v31  }
0x59: {  	v49 =	vld [tilespmem:$0x2D90];
	[tilespmem:$0x3B10] =	vst v34  }
0x5a: {  	v52 =	vld [tilespmem:$0x2E10];
	[tilespmem:$0x3B90] =	vst v37  }
0x5b: {  	v55 =	vld [tilespmem:$0x2E90];
	[tilespmem:$0x3C10] =	vst v40  }
0x5c: {  	v58 =	vld [tilespmem:$0x2F10];
	[tilespmem:$0x3C90] =	vst v43  }
0x5d: {  	v61 =	vld [tilespmem:$0x2F90];
	[tilespmem:$0x3D10] =	vst v46  }
0x5e: {  	[tilespmem:$0x3D90] =	vst v49  }
0x5f: {  	[tilespmem:$0x3E10] =	vst v52  }
0x60: {  	[tilespmem:$0x3E90] =	vst v55  }
0x61: {  	p0 =	sne.s32 s18, $0x3F0;
	[tilespmem:$0x3F10] =	vst v58  }
.Ltmp0:
0x62: {  	[tilespmem:$0x3F90] =	vst v61;
	(pc) =	sbr.rel @p0 .LBB2_2-.Ltmp0, $4  }
0x63: {  	[hbm4b:s16+s2] =	stream.linear.scatter [tilespmem:s14], [sflag:$0x2], $0x1000, $0x38;
	[tilespmem:$0x4080] =	vst v63  }
0x64: {  	_ =	swait.ge [sflag:s9], $0x1000  }
0x65: {  	s18 =	sadd.s32 $0x10, s18;
	[sflag:s9] =	ssyncset.done $0x0  }
0x66: {  	s17 =	sadd.s32 $0x80, s17;
	s16 =	sadd.s32 $0x200, s16;
	[sflag:s9] =	ssyncadd.s32 $0xFFFFF000  }
0x67: {  	s15 =	sadd.s32 $0x1, s15  }
0x68: {  	p0 =	sne.s32 s15, s7  }
.Ltmp1:
0x69: {  	_ = 	snop;
	(pc) =	sbr.rel @p0 .LBB2_1-.Ltmp1, $1  }
0x6a: {  	_ =	sdelay $0x3  }
0x6b: {  	_ =	sfence.sel $0x180000  }
0x6c: {  	[bflag:$0x0] =	sbarrier.arrive $0xFFFF  }
0x6d: {  	p0 =	sne.s32 s1, $0x0;
	_ =	strace $0x9000004A  }
0x6e: {  	s0 =	sadd.s32 @!p0 $0x100000, s0;
	[bflag:$0x2] =	sbarrier.arrive $0xFFFF  }
0x6f: {  	[sflag:s0] =	ssyncadd.tile.s32 @!p0 $0x1;
	_ =	shalt  }
.Lfunc_end2:
_tile_overlayer_lowered:
.L_overlay_start_2:
0x70: {  	(tag) =	ssettag $0x2  }
0x71: {  	s0 =	rddreg [dreg:$0x0];
	s2 =	stileid.u32  }
0x72: {  	s1 =	rddreg [dreg:$0x1];
	p0 =	sne.s32 s2, $0x0  }
0x73: {  	s3 =	rddreg [dreg:$0x2];
	[bflag:$0x3] =	sbarrier.arrive $0xFFFF;
	s2 =	simm.s32 @!p0 $0x1C02  }
0x74: {  	[timem:s3], [sflag:s2] =	dma.local @!p0 [hbm:s0], s1  }
0x75: {  	s0 =	simm.s32 @!p0 $0x2  }
0x76: {  	_ =	swait.ge @!p0 [sflag:s0], s1  }
0x77: {  	s1 =	ssub.s32 @!p0 $0x0, s1;
	[sflag:s0] =	ssyncset.done @!p0 $0x0  }
0x78: {  	[sflag:s0] =	ssyncadd.s32 @!p0 s1  }
0x79: {  	[bflag:$0x3] =	sbarrier.arrive $0xFFFF  }
0x7a: {  	_ =	shalt  }

// kernel: sparse-core-data-format-call.cloned.1.call-start
scs
called_computation_lowered:
.L_overlay_start_0:
0x0: {  	s1 =	sld [smem:$0x3FD9]  }
0x1: {  	s2 =	sld [smem:$0x3FFE];
	_ =	sdelay $0x1  }
0x2: {  	s3 =	srdreg.scid  }
0x3: {  	s0 =	sand.u32 $0x1, s3  }
0x4: {  	s17 =	sshll.u32 s0, $0xA;
	s1 =	sadd.s32 s2, s1  }
0x5: {  	s1 =	sadd.s32 s1, s17  }
0x6: {  	[smem:$0x3FBA] =	sst s1  }
0x7: {  	_ = 	snop  }
0x8: {  	(tm) =	ssettm $0x1  }
0x9: {  	s18 =	sld [smem:$0x3FFB];
	_ =	sdelay $0x3  }
0xa: {  	_ =	strace s18  }
0xb: {  	s1 =	sld [smem:$0x3FFC];
	_ =	sdelay $0x3  }
0xc: {  	_ =	strace s1  }
0xd: {  	s1 =	sld [smem:$0x3FFD];
	_ =	sdelay $0x3  }
0xe: {  	_ =	strace s1  }
0xf: {  	_ =	strace $0x8FFFFFFF  }
0x10: {  	s19 =	sld [smem:$0x3FDB];
	_ =	sdelay $0x1  }
0x11: {  	s20 =	simm.s32 $_scs_section_size  }
0x12: {  	s4 =	simm.s32 $_size__tile_overlayer_lowered;
	s5 =	simm.s32 $_tile_overlayer_lowered  }
0x13: {  	s23 =	simm.s32 $0x1BFF;
	s22 =	sshll.u32 s5, $0x1;
	s1 =	sadd.s32 s20, s19  }
0x14: {  	s6 =	simm.s32 $0x0;
	s21 =	sshll.u32 s4, $0x1;
	s4 =	sadd.s32 s22, s1  }
0x15: {  	[timem:s6], [sflag:s23] =	dma.local [hbm:s4], s21  }
0x16: {  	_ =	swait.ge [sflag:s23], s21  }
0x17: {  	s2 =	ssub.s32 $0x0, s21;
	[sflag:s23] =	ssyncset.done $0x0  }
0x18: {  	[sflag:s23] =	ssyncadd.s32 s2;
	_ =	sdelay $0x1  }
0x19: {  	s24 =	simm.s32 $0x1B8B  }
0x1a: {  	_ =	swait.ge [sflag:s24], $0x1  }
0x1b: {  	[sflag:s24] =	ssyncset.done $0x0  }
0x1c: {  	s26 =	simm.s32 $0x1B8E;
	s25 =	sld [smem:$0x3FFE];
	[sflag:s24] =	ssyncadd.s32 $0xFFFFFFFF  }
0x1d: {  	s27 =	simm.s32 $execute0_lowered;
	[smem:$0x3FD2] =	sst s26  }
0x1e: {  	s4 =	sshll.u32 s27, $0x1;
	_ =	strace $0x80000046;
	[dreg:$0x1] =	wrdreg $0xFFFFFFFF  }
0x1f: {  	s28 =	simm.s32 $_size_execute0_lowered;
	s1 =	sadd.s32 s1, s4;
	[dreg:$0x0] =	wrdreg $0x0  }
0x20: {  	s4 =	sshll.u32 s28, $0x1;
	[dreg:$0x2] =	wrdreg s1  }
0x21: {  	[dreg:$0x3] =	wrdreg s4  }
0x22: {  	[dreg:$0x4] =	wrdreg $0xC0  }
0x23: {  	_ =	task [dreg:s6], $0x5FFFF  }
0x24: {  	[dreg:$0x1] =	wrdreg $0xFFFFFFFF  }
0x25: {  	[dreg:$0x0] =	wrdreg $0x60  }
0x26: {  	[dreg:$0x2] =	wrdreg s25  }
0x27: {  	[dreg:$0x3] =	wrdreg $0x9  }
0x28: {  	_ =	task.clear_ibuf [dreg:s6], $0x4FFFF;
	_ =	strace $0x90000046  }
0x29: {  	s29 =	simm.s32 $0x9;
	_ =	strace $0x80000048  }
0x2a: {  	_ =	swait.ge [sflag:s29], $0x1  }
0x2b: {  	[sflag:s29] =	ssyncadd.s32 $0xFFFFFFFF  }
0x2c: {  	_ =	strace $0x90000048  }
0x2d: {  	_ =	sfence  }
0x2e: {  	s30 =	sld [smem:$0x0];
	_ =	sdelay $0x2  }
0x2f: {  	s31 =	sshll.u32 s3, $0xD;
	s3 =	sshrl.u32 s3, $0x2  }
0x30: {  	s2 =	sand.u32 $0x4000, s31;
	s1 =	sadd.s32 s3, s30  }
0x31: {  	s0 =	sor.u32 s2, s0;
	s1 =	sshll.u32 s1, $0x11  }
0x32: {  	s0 =	sor.u32 s1, s0  }
0x33: {  	s0 =	sadd.s32 $0x8F2B, s0  }
0x34: {  	[sflag:s0] =	ssyncadd.remote.s32 $0x1  }
0x35: {  	_ =	sfence.sel $0xFFFF  }
0x36: {  	[dreg:$0x0] =	wrdreg $0xFFFFFFFF;
	(pc) =	sbr.abs _section_cstart, $3  }
0x37: {  	[dreg:$0x1] =	wrdreg $0xFFFFFFFF  }
0x38: {  	_ =	task.clear_ibuf [dreg:s6], $0x2FFFF;
	_ =	strace $0x9FFFFFFF  }
0x39: {  	(tm) =	ssettm $0x7FFFFFFF  }
tec
execute0_lowered:
.L_overlay_start_1:
0x0: {  	(tag) =	ssettag $0x1  }
0x1: {  	s0 =	stileid.u32  }
0x2: {  	s1 =	srdreg.scid;
	s7 =	rddreg [dreg:$0x0];
	s31 =	simm.s32 $0x2  }
0x3: {  	s17 =	simm.s32 $0x0;
	s10 =	simm.s32 $0x1000;
	s15 =	simm.s32 $0x0  }
0x4: {  	s16 =	simm.s32 $0x0;
	s14 =	simm.s32 $0x0;
	s2 =	sshll.u32 s0, $0x5  }
0x5: {  	s3 =	sshll.u32 s1, $0x7;
	s1 =	rddreg [dreg:$0x1];
	s2 =	sand.u32 $0x180, s2  }
0x6: {  	_ =	strace $0x80000047;
	s3 =	sand.u32 $0x80, s3;
	s4 =	ssub.s32 $0x200, s2  }
0x7: {  	s6 =	ssub.s32 $0x2000, s3;
	s11 =	smov.u32 s3;
	s12 =	smov.u32 s2  }
0x8: {  	s5 =	sshrl.u32 s4, $0x9;
	s4 =	sand.u32 $0x180, s4;
	s8 =	sshrl.u32 s6, $0x7  }
0x9: {  	s6 =	sshrl.u32 s6, $0x8;
	p0 =	sne.s32 s4, $0x0;
	s4 =	simm.s32 $0x1  }
.Ltmp0:
0xa: {  	s8 =	sand.u32 $0x1, s8;
	s4 =	simm.s32 @!p0 $0x0;
	(pc) =	sbr.rel .LBB1_1-.Ltmp0, $4  }
0xb: {  	s6 =	sadd.s32 s6, s8;
	s8 =	sand.u32 $0x3, s0;
	s9 =	sadd.s32 s4, s5  }
0xc: {  	p0 =	por $0x0, $0x0;
	s5 =	simm.s32 $0x1;
	s6 =	smul.u32 s6, s9  }
0xd: {  	s4 =	sadd.s32 $0x1800, s7;
	s7 =	sadd.s32 $0x201800, s7;
	[sflag:s5] =	ssyncpa.u1 $0x0  }
0xe: {  	s13 =	smov.u32 s8;
	[sflag:s31] =	ssyncpa.u1 $0x0;
	s9 =	sadd.s32 $0x1, s6  }
.LBB1_4:
0xf: {  	v5 =	vld [tilespmem:s20+$0xFFFFFFD0]  }
0x10: {  	[tilespmem:s21+$0x2040 ss:$0x81] =	vst.msk $0xffff, v1;
	v58 =	vld [tilespmem:s20+$0xFFFFFFE0]  }
0x11: {  	[tilespmem:s21+$0x2850 ss:$0x81] =	vst.msk $0xffff, v2;
	v59 =	vld [tilespmem:s20+$0xFFFFFFF0]  }
0x12: {  	s22 =	sshra.s32 s22, $0x2;
	[tilespmem:s21+$0x3060 ss:$0x81] =	vst.msk $0xffff, v3;
	v60 =	vld [tilespmem:s20+$0x0]  }
0x13: {  	[tilespmem:s21+$0x0 ss:$0x81] =	vst.msk $0xffff, v0;
	v61 =	vld [tilespmem:s20+$0x10];
	s19 =	sadd.s32 s22, s19  }
0x14: {  	s25 =	sshll.u32 s17, $0x9;
	v62 =	vld [tilespmem:s20+$0x20];
	[tilespmem:s19+$0x3870 ss:$0x81] =	vst.msk $0xffff, v4  }
0x15: {  	s26 =	sshll.u32 s15, $0x3;
	s27 =	sshll.u32 s17, $0x7;
	v63 =	vld [tilespmem:s20+$0xFFFFFFC0];
	s30 =	sand.u32 $0x78, s15;
	[tilespmem:s19+$0x810 ss:$0x81] =	vst.msk $0xffff, v5  }
0x16: {  	s16 =	sshll.u32 s16, $0x13;
	s21 =	sand.u32 $0x3FF000, s25;
	s22 =	sand.u32 $0x3FFC00, s26;
	[tilespmem:s19+$0x1020 ss:$0x81] =	vst.msk $0xffff, v58  }
0x17: {  	s29 =	sand.u32 $0x200, s27;
	s17 =	sand.u32 $0x180, s27;
	s28 =	sadd.s32 s22, s21;
	[tilespmem:s19+$0x1830 ss:$0x81] =	vst.msk $0xffff, v59  }
0x18: {  	s31 =	sand.u32 $0x7, s15;
	s17 =	sor.u32 s30, s17;
	s20 =	sor.u32 s29, s28;
	[tilespmem:s19+$0x2040 ss:$0x81] =	vst.msk $0xffff, v60  }
0x19: {  	s16 =	sadd.s32 s7, s16;
	s17 =	sshrl.u32 s17, $0x3;
	s20 =	sshrl.u32 s20, $0x3;
	[tilespmem:s19+$0x2850 ss:$0x81] =	vst.msk $0xffff, v61  }
0x1a: {  	s15 =	sshll.u32 s31, $0x12;
	s16 =	sadd.s32 s17, s16;
	[tilespmem:s19+$0x3060 ss:$0x81] =	vst.msk $0xffff, v62;
	s20 =	sand.u32 $0x7FFC0, s20  }
0x1b: {  	s15 =	sor.u32 $0x400, s15;
	[tilespmem:s19+$0x0 ss:$0x81] =	vst.msk $0xffff, v63;
	s16 =	sadd.s32 s20, s16  }
0x1c: {  	[hbm4b:s16+s15] =	stream.strided.scatter [tilespmem:s18], [sflag:$0x2], $0x4000, s10, s15, $0x20;
	[tilespmem:$0x10100] =	vst v63  }
.LBB1_5:
0x1d: {  	s18 =	sadd.s32 $0x100, s11  }
0x1e: {  	s15 =	sadd.s32 $0x200, s12;
	s19 =	smov.u32 s12;
	p2 =	sgt.s32 s18, $0x1FFF  }
0x1f: {  	s19 =	smov.u32 @p2 s15  }
0x20: {  	s21 =	smov.u32 s13;
	s15 =	sadd.s32 $0x4, s13;
	p3 =	sgt.s32 s19, $0x1FF  }
0x21: {  	s21 =	smov.u32 @p3 s15  }
0x22: {  	s18 =	smov.u32 @p2 s3;
	p2 =	sgt.s32 s21, $0x3  }
0x23: {  	p1 =	slt.u32 s14, $0x2;
	s21 =	smov.u32 @p2 s8;
	p2 =	sne.s32 s14, s9  }
.Ltmp1:
0x24: {  	s20 =	simm.s32 @!p1 $0x2;
	(pc) =	sbr.rel @!p2 .LBB1_6-.Ltmp1, $4  }
0x25: {  	s17 =	smov.u32 s11;
	s16 =	smov.u32 s13;
	_ =	swait.ge @!p1 [sflag:s20], $0x4000  }
0x26: {  	p0 =	por !p0, !p0;
	[sflag:s20] =	ssyncset.done @!p1 $0x0;
	s11 =	smov.u32 s18  }
0x27: {  	s19 =	smov.u32 @p3 s2;
	s15 =	smov.u32 s12;
	[sflag:s20] =	ssyncadd.s32 @!p1 $0xFFFFC000  }
0x28: {  	s12 =	smov.u32 s19;
	s14 =	sadd.s32 $0x1, s14;
	s13 =	smov.u32 s21  }
.LBB1_1:
0x29: {  	p1 =	sge.u32 s14, s6;
	s31 =	sadd.s32 $0xFFFFFFFF, s14  }
0x2a: {  	s18 =	sxor.u32 @!p1 $0xFFFFFFFF, s14;
	s19 =	sand.u32 @!p1 $0x78, s11;
	s20 =	sshll.u32 @!p1 s12, $0xD  }
0x2b: {  	s21 =	sshll.u32 @!p1 s12, $0x7;
	s22 =	sshll.u32 @!p1 s11, $0x3;
	s18 =	sshll.u32 @!p1 s18, $0xE  }
0x2c: {  	s20 =	sand.u32 @!p1 $0x3F0000, s20;
	s21 =	sand.u32 @!p1 $0x380, s21;
	s18 =	sand.u32 @!p1 $0x4000, s18  }
0x2d: {  	s20 =	sadd.s32 @!p1 s20, s22;
	s22 =	sand.u32 @!p1 $0x1C00, s22;
	s19 =	sor.u32 @!p1 s21, s19  }
0x2e: {  	s21 =	sshll.u32 @!p1 s13, $0x13;
	s19 =	sor.u32 @!p1 s22, s19;
	s20 =	sshrl.u32 @!p1 s20, $0x3  }
0x2f: {  	s21 =	sadd.s32 @!p1 s4, s21;
	s22 =	sand.u32 @!p1 $0x7, s11;
	s20 =	sand.u32 @!p1 $0x7FC00, s20  }
0x30: {  	s19 =	sshrl.u32 @!p1 s19, $0x3;
	s20 =	sadd.s32 @!p1 s20, s21;
	s21 =	sshll.u32 @!p1 s22, $0x12  }
0x31: {  	s19 =	sadd.s32 @!p1 s19, s20;
	s20 =	sor.u32 @!p1 $0x400, s21;
	s21 =	simm.s32 @!p1 $0x10000  }
0x32: {  	[tilespmem:s18], [sflag:$0x1] =	stream.strided.gather @!p1 [hbm4b:s19+s20], $0x4000, s21, s20, $0x38;
	[tilespmem:$0x10100] =	vst v63  }
0x33: {  	p1 =	sge.u32 s31, s6  }
.Ltmp2:
0x34: {  	_ = 	snop;
	(pc) =	sbr.rel @p1 .LBB1_5-.Ltmp2, $1  }
0x35: {  	_ =	sdelay $0x3  }
0x36: {  	s18 =	simm.s32 $0x1  }
0x37: {  	_ =	swait.ge [sflag:s5], $0x4000;
	s18 =	simm.s32 @!p0 $0x0  }
0x38: {  	[sflag:s5] =	ssyncset.done $0x0;
	s19 =	sshll.u32 s18, $0xE  }
0x39: {  	[sflag:s5] =	ssyncadd.s32 $0xFFFFC000;
	s20 =	sor.u32 $0x40, s19  }
0x3a: {  	s18 =	smul.u32 $0x10200, s18;
	v0 =	vld [tilespmem:s20+$0x30]  }
0x3b: {  	v3 =	vld [tilespmem:s20+$0xFFFFFFD0]  }
0x3c: {  	s18 =	sshrl.u32 s18, $0x2;
	v4 =	vld [tilespmem:s20+$0xFFFFFFE0]  }
0x3d: {  	v5 =	vld [tilespmem:s20+$0xFFFFFFF0];
	s19 =	sor.u32 $0x8000, s18  }
0x3e: {  	s31 =	sand.u32 $0x1, s14;
	v1 =	vld [tilespmem:s20+$0x0];
	s21 =	sadd.s32 $0x0, s19  }
0x3f: {  	v2 =	vld [tilespmem:s20+$0x10];
	s18 =	smul.u32 $0x10200, s31;
	[tilespmem:s21+$0x3870 ss:$0x81] =	vst.msk $0xffff, v0  }
0x40: {  	[tilespmem:s21+$0x810 ss:$0x81] =	vst.msk $0xffff, v3;
	v3 =	vld [tilespmem:s20+$0x20]  }
0x41: {  	s18 =	sshrl.u32 s18, $0x2;
	v0 =	vld [tilespmem:s20+$0xFFFFFFC0];
	[tilespmem:s21+$0x1020 ss:$0x81] =	vst.msk $0xffff, v4;
	s20 =	sadd.s32 $0x80, s20  }
0x42: {  	s22 =	simm.s32 $0x4;
	s23 =	simm.s32 $0x8;
	s18 =	sor.u32 $0x8000, s18;
	[tilespmem:s21+$0x1830 ss:$0x81] =	vst.msk $0xffff, v5;
	v4 =	vld [tilespmem:s20+$0x30]  }
.LBB1_3:
0x43: {  	p1 =	sne.s32 s23, $0x1FC;
	v5 =	vld [tilespmem:s20+$0xFFFFFFD0];
	[tilespmem:s21+$0x2040 ss:$0x81] =	vst.msk $0xffff, v1  }
0x44: {  	v6 =	vld [tilespmem:s20+$0xFFFFFFE0];
	[tilespmem:s21+$0x2850 ss:$0x81] =	vst.msk $0xffff, v2  }
0x45: {  	s24 =	sshra.s32 s22, $0x2;
	s22 =	smov.u32 s23;
	v7 =	vld [tilespmem:s20+$0xFFFFFFF0];
	[tilespmem:s21+$0x3060 ss:$0x81] =	vst.msk $0xffff, v3  }
.Ltmp3:
0x46: {  	v1 =	vld [tilespmem:s20+$0x0];
	[tilespmem:s21+$0x0 ss:$0x81] =	vst.msk $0xffff, v0;
	s21 =	sadd.s32 s24, s19;
	(pc) =	sbr.rel @p1 .LBB1_3-.Ltmp3, $4  }
0x47: {  	v2 =	vld [tilespmem:s20+$0x10];
	[tilespmem:s21+$0x3870 ss:$0x81] =	vst.msk $0xffff, v4  }
0x48: {  	[tilespmem:s21+$0x810 ss:$0x81] =	vst.msk $0xffff, v5;
	v3 =	vld [tilespmem:s20+$0x20]  }
0x49: {  	v0 =	vld [tilespmem:s20+$0xFFFFFFC0];
	[tilespmem:s21+$0x1020 ss:$0x81] =	vst.msk $0xffff, v6;
	s20 =	sadd.s32 $0x80, s20  }
0x4a: {  	s23 =	sadd.s32 $0x4, s23;
	v4 =	vld [tilespmem:s20+$0x30];
	[tilespmem:s21+$0x1830 ss:$0x81] =	vst.msk $0xffff, v7  }
.Ltmp4:
0x4b: {  	_ = 	snop;
	(pc) =	sbr.rel .LBB1_4-.Ltmp4, $1  }
0x4c: {  	_ =	sdelay $0x3  }
.LBB1_6:
0x4d: {  	_ =	sfence.sel $0x180000  }
0x4e: {  	s2 =	simm.s32 $0x1;
	[bflag:$0x0] =	sbarrier.arrive $0xFFFF  }
0x4f: {  	s31 =	simm.s32 $0x2;
	[sflag:s2] =	ssyncpa.u1 $0x1  }
0x50: {  	[sflag:s31] =	ssyncpa.u1 $0x1  }
0x51: {  	p0 =	sne.s32 s0, $0x0;
	_ =	strace $0x90000047  }
0x52: {  	s0 =	sadd.s32 @!p0 $0x100000, s1;
	[bflag:$0x2] =	sbarrier.arrive $0xFFFF  }
0x53: {  	[sflag:s0] =	ssyncadd.tile.s32 @!p0 $0x1;
	_ =	shalt  }
.Lfunc_end1:
_tile_overlayer_lowered:
.L_overlay_start_2:
0x54: {  	(tag) =	ssettag $0x2  }
0x55: {  	s0 =	rddreg [dreg:$0x0];
	s2 =	stileid.u32  }
0x56: {  	s1 =	rddreg [dreg:$0x1];
	p0 =	sne.s32 s2, $0x0  }
0x57: {  	s3 =	rddreg [dreg:$0x2];
	[bflag:$0x3] =	sbarrier.arrive $0xFFFF;
	s2 =	simm.s32 @!p0 $0x1C01  }
0x58: {  	[timem:s3], [sflag:s2] =	dma.local @!p0 [hbm:s0], s1  }
0x59: {  	s0 =	simm.s32 @!p0 $0x1  }
0x5a: {  	_ =	swait.ge @!p0 [sflag:s0], s1  }
0x5b: {  	s1 =	ssub.s32 @!p0 $0x0, s1;
	[sflag:s0] =	ssyncset.done @!p0 $0x0  }
0x5c: {  	[sflag:s0] =	ssyncadd.s32 @!p0 s1  }
0x5d: {  	[bflag:$0x3] =	sbarrier.arrive $0xFFFF  }
0x5e: {  	_ =	shalt  }

</sc_bundles>
